<compile_context>
chip_gen: v7x
topology: tpu7x:2x2x1
jax: 0.10.2.dev20260603
libtpu: 0.0.44.dev20260713+nightly
codegen_flags: <defaults>
</compile_context>

<pallas_src>
import functools

import jax
import jax.numpy as jnp
from jax import lax
from jax.experimental import pallas as pl
from jax.experimental.pallas import tpu as pltpu
from jax.experimental.pallas import tpu_sc as plsc


def _build_gather(B: int, D: int):
    info = plsc.get_sparse_core_info()
    NC, NS, L = info.num_cores, info.num_subcores, info.num_lanes
    NW = NC * NS
    assert B % (8 * NW) == 0 and D % L == 0
    b_per_w = B // NW
    CHUNK = 256
    assert b_per_w % CHUNK == 0
    NCHUNK = b_per_w // CHUNK
    assert NCHUNK % 2 == 1

    mesh = plsc.VectorSubcoreMesh(core_axis_name="c", subcore_axis_name="s")

    @functools.partial(
        pl.kernel,
        mesh=mesh,
        compiler_params=pltpu.CompilerParams(
            use_tc_tiling_on_sc=True, needs_layout_passes=False
        ),
        out_type=jax.ShapeDtypeStruct((B, D), jnp.float32),
        scratch_types=[
            pltpu.SMEM((CHUNK,), jnp.int32),
            pltpu.VMEM((CHUNK, D), jnp.float32),
            pltpu.VMEM((CHUNK, D), jnp.float32),
            pltpu.VMEM_SHARED((16, b_per_w), jnp.int32),
            pltpu.SemaphoreType.DMA,
            pltpu.SemaphoreType.DMA,
            pltpu.SemaphoreType.DMA,
            pltpu.SemaphoreType.DMA,
        ],
    )
    def gather2x(
        table_hbm, idx_hbm, out_hbm,
        idx_s, rows0, rows1, idx_sh, gsem0, gsem1, wsem0, wsem1,
    ):
        wid = lax.axis_index("s") * NC + lax.axis_index("c")
        sid = lax.axis_index("s")
        base = wid * b_per_w
        pltpu.sync_copy(idx_hbm.at[pl.ds(base, b_per_w)], idx_sh.at[sid])

        def stage(j):
            pltpu.sync_copy(idx_sh.at[sid, pl.ds(j * CHUNK, CHUNK)], idx_s)

        def fire(rows_v, gsem):
            def body(r, c2):
                row = idx_s[r]
                pltpu.async_copy(
                    table_hbm.at[row >> 6, pl.ds(row & 63, 1)],
                    rows_v.at[pl.ds(r, 1)],
                    gsem,
                )
                return c2

            lax.fori_loop(0, CHUNK, body, 0, unroll=8)

        def retire(j, rows_v, gsem, wsem):
            pltpu.make_async_copy(
                out_hbm.at[pl.ds(base, CHUNK)], rows_v, gsem
            ).wait()

            def mbody(r, c2):
                for c in range(D // L):
                    sl = pl.ds(c * L, L)
                    rows_v[r, sl] = rows_v[r, sl] + rows_v[r, sl]
                return c2

            lax.fori_loop(0, CHUNK, mbody, 0, unroll=4)
            pltpu.async_copy(
                rows_v, out_hbm.at[pl.ds(base + j * CHUNK, CHUNK)], wsem
            )

        def wait_writeout(rows_v, wsem):
            pltpu.make_async_copy(
                rows_v, out_hbm.at[pl.ds(base, CHUNK)], wsem
            ).wait()

        stage(0)
        fire(rows0, gsem0)

        def pair_body(k, carry):
            a = 2 * k
            b = a + 1
            stage(b)
            fire(rows1, gsem1)
            retire(a, rows0, gsem0, wsem0)

            @pl.when(b + 1 < NCHUNK)
            def _():
                stage(b + 1)
                wait_writeout(rows0, wsem0)
                fire(rows0, gsem0)

            retire(b, rows1, gsem1, wsem1)
            wait_writeout(rows1, wsem1)
            return carry

        lax.fori_loop(0, NCHUNK // 2, pair_body, 0)
        retire(NCHUNK - 1, rows0, gsem0, wsem0)
        wait_writeout(rows0, wsem0)

    return gather2x


def kernel(inputs, token_table, position_table):
    del position_table
    Bx, S = inputs.shape
    V, D = token_table.shape
    idx = inputs.reshape(-1).astype(jnp.int32)
    out = _build_gather(Bx * S, D)(token_table.reshape(V // 64, 64, D), idx)
    return out.reshape(Bx, S, D)

# --- scband reference (transcript-rebuilt; emitter-appended) ---
"""Pipeline reference for scband-positional-embedding-38517266711170 (READ-ONLY COPY).

The authoritative reference and input builder live on the scoring server;
editing this copy changes nothing except your own understanding.
"""

import jax, jax.numpy as jnp
import numpy as np

VOCAB = 1000000
SEQ_LEN = 200
EMBED_DIM = 64
BATCH = 1024

def setup_inputs(seed: int = 0) -> dict:
    key = jax.random.key(seed)
    k1, k2, k3 = jax.random.split(key, 3)
    inputs = jax.random.randint(k1, (BATCH, SEQ_LEN), 0, VOCAB, dtype=jnp.int64)
    token_table = (jax.random.normal(k2, (VOCAB, EMBED_DIM), dtype=jnp.float32) * 0.02)
    position_table = (jax.random.normal(k3, (SEQ_LEN, EMBED_DIM), dtype=jnp.float32) * 0.02)
    return {"inputs": inputs, "token_table": token_table, "position_table": position_table}

def reference(inputs, token_table, position_table):
    # Faithful translation of PositionalEmbedding.call
    length = inputs.shape[-1]
    positions = jnp.arange(0, length, 1)
    embedded_tokens = jnp.take(token_table, inputs, axis=0)
    embedded_positions = jnp.take(position_table, positions, axis=0)
    # NOTE: original module returns embedded_tokens + embedded_tokens
    # (positions embedding is computed but unused) - kept faithful.
    return embedded_tokens + embedded_tokens

if __name__ == "__main__":
    import jax
    _d = setup_inputs()
    print(jax.jit(kernel)(*tuple(_d.values())))

</pallas_src>

<mosaic_0001>
#map = affine_map<(d0, d1) -> (0, 0, 0)>
#map1 = affine_map<(d0, d1) -> (0)>
#map2 = affine_map<(d0, d1) -> (0, 0)>
module attributes {stable_mosaic.version = 14 : i64} {
  func.func @gather2x(%arg0: i32, %arg1: i32, %arg2: memref<15625x64x64xf32, #tpu.memory_space<hbm>>, %arg3: memref<204800xi32, #tpu.memory_space<hbm>>, %arg4: memref<204800x64xf32, #tpu.memory_space<hbm>>, %arg5: memref<256xi32, #tpu.memory_space<smem>>, %arg6: memref<256x64xf32, #tpu.memory_space<vmem>>, %arg7: memref<256x64xf32, #tpu.memory_space<vmem>>, %arg8: memref<16x6400xi32, #tpu.memory_space<vmem_shared>>, %arg9: memref<!tpu.dma_semaphore, #tpu.memory_space<semaphore_mem>>, %arg10: memref<!tpu.dma_semaphore, #tpu.memory_space<semaphore_mem>>, %arg11: memref<!tpu.dma_semaphore, #tpu.memory_space<semaphore_mem>>, %arg12: memref<!tpu.dma_semaphore, #tpu.memory_space<semaphore_mem>>) attributes {dimension_semantics = [#tpu.dimension_semantics<core_parallel>, #tpu.dimension_semantics<subcore_parallel>], iteration_bounds = array<i64: 2, 16>, scalar_prefetch = 0 : i64, scratch_operands = 8 : i64, tpu.core_type = #tpu.core_type<sc_vector_subcore>, window_params = [{transform_indices = #map}, {transform_indices = #map1}, {transform_indices = #map2}]} {
    %mul3A = arith.constant 2 : i32
    %mul3A_0 = arith.muli %arg1, %mul3A : i32
    %add3A = arith.addi %mul3A_0, %arg0 : i32
    %mul3A_1 = arith.constant 6400 : i32
    %mul3A_2 = arith.muli %add3A, %mul3A_1 : i32
    "tpu.region"() ({
      %run_scoped3A = tpu.sem_alloc : memref<!tpu.dma_semaphore, #tpu.memory_space<semaphore_mem>>
      %dma_start3A_32 = arith.constant 0 : i32
      %dma_start3A_33 = tpu.memref_slice %arg8[%arg1, %dma_start3A_32] : memref<16x6400xi32, #tpu.memory_space<vmem_shared>> -> memref<1x6400xi32, #tpu.memory_space<vmem_shared>>
      %dma_start3A_34 = tpu.memref_squeeze %dma_start3A_33 : memref<1x6400xi32, #tpu.memory_space<vmem_shared>> -> memref<6400xi32, #tpu.memory_space<vmem_shared>>
      %dma_start3A_35 = tpu.memref_slice %arg3[%mul3A_2] : memref<204800xi32, #tpu.memory_space<hbm>> -> memref<6400xi32, #tpu.memory_space<hbm>>
      tpu.enqueue_dma source(%dma_start3A_35 : memref<6400xi32, #tpu.memory_space<hbm>>) target(%dma_start3A_34 : memref<6400xi32, #tpu.memory_space<vmem_shared>>) target_semaphore(%run_scoped3A : memref<!tpu.dma_semaphore, #tpu.memory_space<semaphore_mem>>)
      %dma_wait3A_36 = arith.constant 0 : i32
      %dma_wait3A_37 = tpu.memref_slice %arg8[%arg1, %dma_wait3A_36] : memref<16x6400xi32, #tpu.memory_space<vmem_shared>> -> memref<1x6400xi32, #tpu.memory_space<vmem_shared>>
      %dma_wait3A_38 = tpu.memref_squeeze %dma_wait3A_37 : memref<1x6400xi32, #tpu.memory_space<vmem_shared>> -> memref<6400xi32, #tpu.memory_space<vmem_shared>>
      %dma_wait3A_39 = tpu.memref_slice %arg3[%mul3A_2] : memref<204800xi32, #tpu.memory_space<hbm>> -> memref<6400xi32, #tpu.memory_space<hbm>>
      tpu.wait_dma2 semaphore(%run_scoped3A : memref<!tpu.dma_semaphore, #tpu.memory_space<semaphore_mem>>) src(%dma_wait3A_39 : memref<6400xi32, #tpu.memory_space<hbm>>) dst(%dma_wait3A_38 : memref<6400xi32, #tpu.memory_space<vmem_shared>>)
      tpu.yield
    }) : () -> ()
    "tpu.region"() ({
      %run_scoped3A = tpu.sem_alloc : memref<!tpu.dma_semaphore, #tpu.memory_space<semaphore_mem>>
      %dma_start3A_32 = arith.constant 0 : i32
      %dma_start3A_33 = tpu.memref_slice %arg8[%arg1, %dma_start3A_32] : memref<16x6400xi32, #tpu.memory_space<vmem_shared>> -> memref<1x256xi32, #tpu.memory_space<vmem_shared>>
      %dma_start3A_34 = tpu.memref_squeeze %dma_start3A_33 : memref<1x256xi32, #tpu.memory_space<vmem_shared>> -> memref<256xi32, #tpu.memory_space<vmem_shared>>
      tpu.enqueue_dma source(%dma_start3A_34 : memref<256xi32, #tpu.memory_space<vmem_shared>>) target(%arg5 : memref<256xi32, #tpu.memory_space<smem>>) target_semaphore(%run_scoped3A : memref<!tpu.dma_semaphore, #tpu.memory_space<semaphore_mem>>)
      %dma_wait3A_35 = arith.constant 0 : i32
      %dma_wait3A_36 = tpu.memref_slice %arg8[%arg1, %dma_wait3A_35] : memref<16x6400xi32, #tpu.memory_space<vmem_shared>> -> memref<1x256xi32, #tpu.memory_space<vmem_shared>>
      %dma_wait3A_37 = tpu.memref_squeeze %dma_wait3A_36 : memref<1x256xi32, #tpu.memory_space<vmem_shared>> -> memref<256xi32, #tpu.memory_space<vmem_shared>>
      tpu.wait_dma2 semaphore(%run_scoped3A : memref<!tpu.dma_semaphore, #tpu.memory_space<semaphore_mem>>) src(%dma_wait3A_37 : memref<256xi32, #tpu.memory_space<vmem_shared>>) dst(%arg5 : memref<256xi32, #tpu.memory_space<smem>>)
      tpu.yield
    }) : () -> ()
    %scan3A = arith.constant 0 : i32
    %scan3A_3 = arith.constant 0 : i32
    %scan3A_4 = arith.constant 256 : i32
    %scan3A_5 = arith.addi %scan3A_3, %scan3A_4 : i32
    %scan3A_6 = arith.constant 8 : i32
    scf.for %scan3A_32 = %scan3A_3 to %scan3A_5 step %scan3A_6  : i32 {
      %get3A = arith.index_cast %scan3A_32 : i32 to index
      %get3A_33 = memref.load %arg5[%get3A] : memref<256xi32, #tpu.memory_space<smem>>
      %shift_right_arithmetic3A = arith.constant 6 : i32
      %shift_right_arithmetic3A_34 = arith.shrsi %get3A_33, %shift_right_arithmetic3A : i32
      %and3A = arith.constant 63 : i32
      %and3A_35 = arith.andi %get3A_33, %and3A : i32
      %dma_start3A_36 = arith.constant 0 : i32
      %dma_start3A_37 = tpu.memref_slice %arg6[%scan3A_32, %dma_start3A_36] : memref<256x64xf32, #tpu.memory_space<vmem>> -> memref<1x64xf32, #tpu.memory_space<vmem>>
      %dma_start3A_38 = arith.constant 0 : i32
      %dma_start3A_39 = tpu.memref_slice %arg2[%shift_right_arithmetic3A_34, %and3A_35, %dma_start3A_38] : memref<15625x64x64xf32, #tpu.memory_space<hbm>> -> memref<1x1x64xf32, #tpu.memory_space<hbm>>
      %dma_start3A_40 = tpu.memref_squeeze %dma_start3A_39 : memref<1x1x64xf32, #tpu.memory_space<hbm>> -> memref<1x64xf32, #tpu.memory_space<hbm>>
      %dma_start3A_41 = arith.constant 0 : i32
      %dma_start3A_42 = tpu.memref_slice %arg6[%scan3A_32, %dma_start3A_41] : memref<256x64xf32, #tpu.memory_space<vmem>> -> memref<1x64xf32, #tpu.memory_space<vmem>>
      %dma_start3A_43 = arith.constant 0 : i32
      %dma_start3A_44 = tpu.memref_slice %arg2[%shift_right_arithmetic3A_34, %and3A_35, %dma_start3A_43] : memref<15625x64x64xf32, #tpu.memory_space<hbm>> -> memref<1x1x64xf32, #tpu.memory_space<hbm>>
      %dma_start3A_45 = tpu.memref_squeeze %dma_start3A_44 : memref<1x1x64xf32, #tpu.memory_space<hbm>> -> memref<1x64xf32, #tpu.memory_space<hbm>>
      tpu.enqueue_dma source(%dma_start3A_45 : memref<1x64xf32, #tpu.memory_space<hbm>>) target(%dma_start3A_42 : memref<1x64xf32, #tpu.memory_space<vmem>>) target_semaphore(%arg9 : memref<!tpu.dma_semaphore, #tpu.memory_space<semaphore_mem>>)
      %scan3A_46 = arith.constant 1 : i32
      %scan3A_47 = arith.addi %scan3A_32, %scan3A_46 : i32
      %get3A_48 = arith.index_cast %scan3A_47 : i32 to index
      %get3A_49 = memref.load %arg5[%get3A_48] : memref<256xi32, #tpu.memory_space<smem>>
      %shift_right_arithmetic3A_50 = arith.constant 6 : i32
      %shift_right_arithmetic3A_51 = arith.shrsi %get3A_49, %shift_right_arithmetic3A_50 : i32
      %and3A_52 = arith.constant 63 : i32
      %and3A_53 = arith.andi %get3A_49, %and3A_52 : i32
      %dma_start3A_54 = arith.constant 0 : i32
      %dma_start3A_55 = tpu.memref_slice %arg6[%scan3A_47, %dma_start3A_54] : memref<256x64xf32, #tpu.memory_space<vmem>> -> memref<1x64xf32, #tpu.memory_space<vmem>>
      %dma_start3A_56 = arith.constant 0 : i32
      %dma_start3A_57 = tpu.memref_slice %arg2[%shift_right_arithmetic3A_51, %and3A_53, %dma_start3A_56] : memref<15625x64x64xf32, #tpu.memory_space<hbm>> -> memref<1x1x64xf32, #tpu.memory_space<hbm>>
      %dma_start3A_58 = tpu.memref_squeeze %dma_start3A_57 : memref<1x1x64xf32, #tpu.memory_space<hbm>> -> memref<1x64xf32, #tpu.memory_space<hbm>>
      %dma_start3A_59 = arith.constant 0 : i32
      %dma_start3A_60 = tpu.memref_slice %arg6[%scan3A_47, %dma_start3A_59] : memref<256x64xf32, #tpu.memory_space<vmem>> -> memref<1x64xf32, #tpu.memory_space<vmem>>
      %dma_start3A_61 = arith.constant 0 : i32
      %dma_start3A_62 = tpu.memref_slice %arg2[%shift_right_arithmetic3A_51, %and3A_53, %dma_start3A_61] : memref<15625x64x64xf32, #tpu.memory_space<hbm>> -> memref<1x1x64xf32, #tpu.memory_space<hbm>>
      %dma_start3A_63 = tpu.memref_squeeze %dma_start3A_62 : memref<1x1x64xf32, #tpu.memory_space<hbm>> -> memref<1x64xf32, #tpu.memory_space<hbm>>
      tpu.enqueue_dma source(%dma_start3A_63 : memref<1x64xf32, #tpu.memory_space<hbm>>) target(%dma_start3A_60 : memref<1x64xf32, #tpu.memory_space<vmem>>) target_semaphore(%arg9 : memref<!tpu.dma_semaphore, #tpu.memory_space<semaphore_mem>>)
      %scan3A_64 = arith.constant 2 : i32
      %scan3A_65 = arith.addi %scan3A_32, %scan3A_64 : i32
      %get3A_66 = arith.index_cast %scan3A_65 : i32 to index
      %get3A_67 = memref.load %arg5[%get3A_66] : memref<256xi32, #tpu.memory_space<smem>>
      %shift_right_arithmetic3A_68 = arith.constant 6 : i32
      %shift_right_arithmetic3A_69 = arith.shrsi %get3A_67, %shift_right_arithmetic3A_68 : i32
      %and3A_70 = arith.constant 63 : i32
      %and3A_71 = arith.andi %get3A_67, %and3A_70 : i32
      %dma_start3A_72 = arith.constant 0 : i32
      %dma_start3A_73 = tpu.memref_slice %arg6[%scan3A_65, %dma_start3A_72] : memref<256x64xf32, #tpu.memory_space<vmem>> -> memref<1x64xf32, #tpu.memory_space<vmem>>
      %dma_start3A_74 = arith.constant 0 : i32
      %dma_start3A_75 = tpu.memref_slice %arg2[%shift_right_arithmetic3A_69, %and3A_71, %dma_start3A_74] : memref<15625x64x64xf32, #tpu.memory_space<hbm>> -> memref<1x1x64xf32, #tpu.memory_space<hbm>>
      %dma_start3A_76 = tpu.memref_squeeze %dma_start3A_75 : memref<1x1x64xf32, #tpu.memory_space<hbm>> -> memref<1x64xf32, #tpu.memory_space<hbm>>
      %dma_start3A_77 = arith.constant 0 : i32
      %dma_start3A_78 = tpu.memref_slice %arg6[%scan3A_65, %dma_start3A_77] : memref<256x64xf32, #tpu.memory_space<vmem>> -> memref<1x64xf32, #tpu.memory_space<vmem>>
      %dma_start3A_79 = arith.constant 0 : i32
      %dma_start3A_80 = tpu.memref_slice %arg2[%shift_right_arithmetic3A_69, %and3A_71, %dma_start3A_79] : memref<15625x64x64xf32, #tpu.memory_space<hbm>> -> memref<1x1x64xf32, #tpu.memory_space<hbm>>
      %dma_start3A_81 = tpu.memref_squeeze %dma_start3A_80 : memref<1x1x64xf32, #tpu.memory_space<hbm>> -> memref<1x64xf32, #tpu.memory_space<hbm>>
      tpu.enqueue_dma source(%dma_start3A_81 : memref<1x64xf32, #tpu.memory_space<hbm>>) target(%dma_start3A_78 : memref<1x64xf32, #tpu.memory_space<vmem>>) target_semaphore(%arg9 : memref<!tpu.dma_semaphore, #tpu.memory_space<semaphore_mem>>)
      %scan3A_82 = arith.constant 3 : i32
      %scan3A_83 = arith.addi %scan3A_32, %scan3A_82 : i32
      %get3A_84 = arith.index_cast %scan3A_83 : i32 to index
      %get3A_85 = memref.load %arg5[%get3A_84] : memref<256xi32, #tpu.memory_space<smem>>
      %shift_right_arithmetic3A_86 = arith.constant 6 : i32
      %shift_right_arithmetic3A_87 = arith.shrsi %get3A_85, %shift_right_arithmetic3A_86 : i32
      %and3A_88 = arith.constant 63 : i32
      %and3A_89 = arith.andi %get3A_85, %and3A_88 : i32
      %dma_start3A_90 = arith.constant 0 : i32
      %dma_start3A_91 = tpu.memref_slice %arg6[%scan3A_83, %dma_start3A_90] : memref<256x64xf32, #tpu.memory_space<vmem>> -> memref<1x64xf32, #tpu.memory_space<vmem>>
      %dma_start3A_92 = arith.constant 0 : i32
      %dma_start3A_93 = tpu.memref_slice %arg2[%shift_right_arithmetic3A_87, %and3A_89, %dma_start3A_92] : memref<15625x64x64xf32, #tpu.memory_space<hbm>> -> memref<1x1x64xf32, #tpu.memory_space<hbm>>
      %dma_start3A_94 = tpu.memref_squeeze %dma_start3A_93 : memref<1x1x64xf32, #tpu.memory_space<hbm>> -> memref<1x64xf32, #tpu.memory_space<hbm>>
      %dma_start3A_95 = arith.constant 0 : i32
      %dma_start3A_96 = tpu.memref_slice %arg6[%scan3A_83, %dma_start3A_95] : memref<256x64xf32, #tpu.memory_space<vmem>> -> memref<1x64xf32, #tpu.memory_space<vmem>>
      %dma_start3A_97 = arith.constant 0 : i32
      %dma_start3A_98 = tpu.memref_slice %arg2[%shift_right_arithmetic3A_87, %and3A_89, %dma_start3A_97] : memref<15625x64x64xf32, #tpu.memory_space<hbm>> -> memref<1x1x64xf32, #tpu.memory_space<hbm>>
      %dma_start3A_99 = tpu.memref_squeeze %dma_start3A_98 : memref<1x1x64xf32, #tpu.memory_space<hbm>> -> memref<1x64xf32, #tpu.memory_space<hbm>>
      tpu.enqueue_dma source(%dma_start3A_99 : memref<1x64xf32, #tpu.memory_space<hbm>>) target(%dma_start3A_96 : memref<1x64xf32, #tpu.memory_space<vmem>>) target_semaphore(%arg9 : memref<!tpu.dma_semaphore, #tpu.memory_space<semaphore_mem>>)
      %scan3A_100 = arith.constant 4 : i32
      %scan3A_101 = arith.addi %scan3A_32, %scan3A_100 : i32
      %get3A_102 = arith.index_cast %scan3A_101 : i32 to index
      %get3A_103 = memref.load %arg5[%get3A_102] : memref<256xi32, #tpu.memory_space<smem>>
      %shift_right_arithmetic3A_104 = arith.constant 6 : i32
      %shift_right_arithmetic3A_105 = arith.shrsi %get3A_103, %shift_right_arithmetic3A_104 : i32
      %and3A_106 = arith.constant 63 : i32
      %and3A_107 = arith.andi %get3A_103, %and3A_106 : i32
      %dma_start3A_108 = arith.constant 0 : i32
      %dma_start3A_109 = tpu.memref_slice %arg6[%scan3A_101, %dma_start3A_108] : memref<256x64xf32, #tpu.memory_space<vmem>> -> memref<1x64xf32, #tpu.memory_space<vmem>>
      %dma_start3A_110 = arith.constant 0 : i32
      %dma_start3A_111 = tpu.memref_slice %arg2[%shift_right_arithmetic3A_105, %and3A_107, %dma_start3A_110] : memref<15625x64x64xf32, #tpu.memory_space<hbm>> -> memref<1x1x64xf32, #tpu.memory_space<hbm>>
      %dma_start3A_112 = tpu.memref_squeeze %dma_start3A_111 : memref<1x1x64xf32, #tpu.memory_space<hbm>> -> memref<1x64xf32, #tpu.memory_space<hbm>>
      %dma_start3A_113 = arith.constant 0 : i32
      %dma_start3A_114 = tpu.memref_slice %arg6[%scan3A_101, %dma_start3A_113] : memref<256x64xf32, #tpu.memory_space<vmem>> -> memref<1x64xf32, #tpu.memory_space<vmem>>
      %dma_start3A_115 = arith.constant 0 : i32
      %dma_start3A_116 = tpu.memref_slice %arg2[%shift_right_arithmetic3A_105, %and3A_107, %dma_start3A_115] : memref<15625x64x64xf32, #tpu.memory_space<hbm>> -> memref<1x1x64xf32, #tpu.memory_space<hbm>>
      %dma_start3A_117 = tpu.memref_squeeze %dma_start3A_116 : memref<1x1x64xf32, #tpu.memory_space<hbm>> -> memref<1x64xf32, #tpu.memory_space<hbm>>
      tpu.enqueue_dma source(%dma_start3A_117 : memref<1x64xf32, #tpu.memory_space<hbm>>) target(%dma_start3A_114 : memref<1x64xf32, #tpu.memory_space<vmem>>) target_semaphore(%arg9 : memref<!tpu.dma_semaphore, #tpu.memory_space<semaphore_mem>>)
      %scan3A_118 = arith.constant 5 : i32
      %scan3A_119 = arith.addi %scan3A_32, %scan3A_118 : i32
      %get3A_120 = arith.index_cast %scan3A_119 : i32 to index
      %get3A_121 = memref.load %arg5[%get3A_120] : memref<256xi32, #tpu.memory_space<smem>>
      %shift_right_arithmetic3A_122 = arith.constant 6 : i32
      %shift_right_arithmetic3A_123 = arith.shrsi %get3A_121, %shift_right_arithmetic3A_122 : i32
      %and3A_124 = arith.constant 63 : i32
      %and3A_125 = arith.andi %get3A_121, %and3A_124 : i32
      %dma_start3A_126 = arith.constant 0 : i32
      %dma_start3A_127 = tpu.memref_slice %arg6[%scan3A_119, %dma_start3A_126] : memref<256x64xf32, #tpu.memory_space<vmem>> -> memref<1x64xf32, #tpu.memory_space<vmem>>
      %dma_start3A_128 = arith.constant 0 : i32
      %dma_start3A_129 = tpu.memref_slice %arg2[%shift_right_arithmetic3A_123, %and3A_125, %dma_start3A_128] : memref<15625x64x64xf32, #tpu.memory_space<hbm>> -> memref<1x1x64xf32, #tpu.memory_space<hbm>>
      %dma_start3A_130 = tpu.memref_squeeze %dma_start3A_129 : memref<1x1x64xf32, #tpu.memory_space<hbm>> -> memref<1x64xf32, #tpu.memory_space<hbm>>
      %dma_start3A_131 = arith.constant 0 : i32
      %dma_start3A_132 = tpu.memref_slice %arg6[%scan3A_119, %dma_start3A_131] : memref<256x64xf32, #tpu.memory_space<vmem>> -> memref<1x64xf32, #tpu.memory_space<vmem>>
      %dma_start3A_133 = arith.constant 0 : i32
      %dma_start3A_134 = tpu.memref_slice %arg2[%shift_right_arithmetic3A_123, %and3A_125, %dma_start3A_133] : memref<15625x64x64xf32, #tpu.memory_space<hbm>> -> memref<1x1x64xf32, #tpu.memory_space<hbm>>
      %dma_start3A_135 = tpu.memref_squeeze %dma_start3A_134 : memref<1x1x64xf32, #tpu.memory_space<hbm>> -> memref<1x64xf32, #tpu.memory_space<hbm>>
      tpu.enqueue_dma source(%dma_start3A_135 : memref<1x64xf32, #tpu.memory_space<hbm>>) target(%dma_start3A_132 : memref<1x64xf32, #tpu.memory_space<vmem>>) target_semaphore(%arg9 : memref<!tpu.dma_semaphore, #tpu.memory_space<semaphore_mem>>)
      %scan3A_136 = arith.constant 6 : i32
      %scan3A_137 = arith.addi %scan3A_32, %scan3A_136 : i32
      %get3A_138 = arith.index_cast %scan3A_137 : i32 to index
      %get3A_139 = memref.load %arg5[%get3A_138] : memref<256xi32, #tpu.memory_space<smem>>
      %shift_right_arithmetic3A_140 = arith.constant 6 : i32
      %shift_right_arithmetic3A_141 = arith.shrsi %get3A_139, %shift_right_arithmetic3A_140 : i32
      %and3A_142 = arith.constant 63 : i32
      %and3A_143 = arith.andi %get3A_139, %and3A_142 : i32
      %dma_start3A_144 = arith.constant 0 : i32
      %dma_start3A_145 = tpu.memref_slice %arg6[%scan3A_137, %dma_start3A_144] : memref<256x64xf32, #tpu.memory_space<vmem>> -> memref<1x64xf32, #tpu.memory_space<vmem>>
      %dma_start3A_146 = arith.constant 0 : i32
      %dma_start3A_147 = tpu.memref_slice %arg2[%shift_right_arithmetic3A_141, %and3A_143, %dma_start3A_146] : memref<15625x64x64xf32, #tpu.memory_space<hbm>> -> memref<1x1x64xf32, #tpu.memory_space<hbm>>
      %dma_start3A_148 = tpu.memref_squeeze %dma_start3A_147 : memref<1x1x64xf32, #tpu.memory_space<hbm>> -> memref<1x64xf32, #tpu.memory_space<hbm>>
      %dma_start3A_149 = arith.constant 0 : i32
      %dma_start3A_150 = tpu.memref_slice %arg6[%scan3A_137, %dma_start3A_149] : memref<256x64xf32, #tpu.memory_space<vmem>> -> memref<1x64xf32, #tpu.memory_space<vmem>>
      %dma_start3A_151 = arith.constant 0 : i32
      %dma_start3A_152 = tpu.memref_slice %arg2[%shift_right_arithmetic3A_141, %and3A_143, %dma_start3A_151] : memref<15625x64x64xf32, #tpu.memory_space<hbm>> -> memref<1x1x64xf32, #tpu.memory_space<hbm>>
      %dma_start3A_153 = tpu.memref_squeeze %dma_start3A_152 : memref<1x1x64xf32, #tpu.memory_space<hbm>> -> memref<1x64xf32, #tpu.memory_space<hbm>>
      tpu.enqueue_dma source(%dma_start3A_153 : memref<1x64xf32, #tpu.memory_space<hbm>>) target(%dma_start3A_150 : memref<1x64xf32, #tpu.memory_space<vmem>>) target_semaphore(%arg9 : memref<!tpu.dma_semaphore, #tpu.memory_space<semaphore_mem>>)
      %scan3A_154 = arith.constant 7 : i32
      %scan3A_155 = arith.addi %scan3A_32, %scan3A_154 : i32
      %get3A_156 = arith.index_cast %scan3A_155 : i32 to index
      %get3A_157 = memref.load %arg5[%get3A_156] : memref<256xi32, #tpu.memory_space<smem>>
      %shift_right_arithmetic3A_158 = arith.constant 6 : i32
      %shift_right_arithmetic3A_159 = arith.shrsi %get3A_157, %shift_right_arithmetic3A_158 : i32
      %and3A_160 = arith.constant 63 : i32
      %and3A_161 = arith.andi %get3A_157, %and3A_160 : i32
      %dma_start3A_162 = arith.constant 0 : i32
      %dma_start3A_163 = tpu.memref_slice %arg6[%scan3A_155, %dma_start3A_162] : memref<256x64xf32, #tpu.memory_space<vmem>> -> memref<1x64xf32, #tpu.memory_space<vmem>>
      %dma_start3A_164 = arith.constant 0 : i32
      %dma_start3A_165 = tpu.memref_slice %arg2[%shift_right_arithmetic3A_159, %and3A_161, %dma_start3A_164] : memref<15625x64x64xf32, #tpu.memory_space<hbm>> -> memref<1x1x64xf32, #tpu.memory_space<hbm>>
      %dma_start3A_166 = tpu.memref_squeeze %dma_start3A_165 : memref<1x1x64xf32, #tpu.memory_space<hbm>> -> memref<1x64xf32, #tpu.memory_space<hbm>>
      %dma_start3A_167 = arith.constant 0 : i32
      %dma_start3A_168 = tpu.memref_slice %arg6[%scan3A_155, %dma_start3A_167] : memref<256x64xf32, #tpu.memory_space<vmem>> -> memref<1x64xf32, #tpu.memory_space<vmem>>
      %dma_start3A_169 = arith.constant 0 : i32
      %dma_start3A_170 = tpu.memref_slice %arg2[%shift_right_arithmetic3A_159, %and3A_161, %dma_start3A_169] : memref<15625x64x64xf32, #tpu.memory_space<hbm>> -> memref<1x1x64xf32, #tpu.memory_space<hbm>>
      %dma_start3A_171 = tpu.memref_squeeze %dma_start3A_170 : memref<1x1x64xf32, #tpu.memory_space<hbm>> -> memref<1x64xf32, #tpu.memory_space<hbm>>
      tpu.enqueue_dma source(%dma_start3A_171 : memref<1x64xf32, #tpu.memory_space<hbm>>) target(%dma_start3A_168 : memref<1x64xf32, #tpu.memory_space<vmem>>) target_semaphore(%arg9 : memref<!tpu.dma_semaphore, #tpu.memory_space<semaphore_mem>>)
    }
    %scan3A_7 = arith.constant 256 : i32
    %scan3A_8 = arith.constant 0 : i32
    %scan3A_9 = arith.constant 0 : i32
    %scan3A_10 = arith.constant 12 : i32
    %scan3A_11 = arith.addi %scan3A_9, %scan3A_10 : i32
    %scan3A_12 = arith.constant 1 : i32
    scf.for %scan3A_32 = %scan3A_9 to %scan3A_11 step %scan3A_12  : i32 {
      %mul3A_33 = arith.constant 2 : i32
      %mul3A_34 = arith.muli %mul3A_33, %scan3A_32 : i32
      %add3A_35 = arith.constant 1 : i32
      %add3A_36 = arith.addi %mul3A_34, %add3A_35 : i32
      %mul3A_37 = arith.constant 256 : i32
      %mul3A_38 = arith.muli %add3A_36, %mul3A_37 : i32
      "tpu.region"() ({
        %run_scoped3A = tpu.sem_alloc : memref<!tpu.dma_semaphore, #tpu.memory_space<semaphore_mem>>
        %dma_start3A_87 = tpu.memref_slice %arg8[%arg1, %mul3A_38] : memref<16x6400xi32, #tpu.memory_space<vmem_shared>> -> memref<1x256xi32, #tpu.memory_space<vmem_shared>>
        %dma_start3A_88 = tpu.memref_squeeze %dma_start3A_87 : memref<1x256xi32, #tpu.memory_space<vmem_shared>> -> memref<256xi32, #tpu.memory_space<vmem_shared>>
        tpu.enqueue_dma source(%dma_start3A_88 : memref<256xi32, #tpu.memory_space<vmem_shared>>) target(%arg5 : memref<256xi32, #tpu.memory_space<smem>>) target_semaphore(%run_scoped3A : memref<!tpu.dma_semaphore, #tpu.memory_space<semaphore_mem>>)
        %dma_wait3A_89 = tpu.memref_slice %arg8[%arg1, %mul3A_38] : memref<16x6400xi32, #tpu.memory_space<vmem_shared>> -> memref<1x256xi32, #tpu.memory_space<vmem_shared>>
        %dma_wait3A_90 = tpu.memref_squeeze %dma_wait3A_89 : memref<1x256xi32, #tpu.memory_space<vmem_shared>> -> memref<256xi32, #tpu.memory_space<vmem_shared>>
        tpu.wait_dma2 semaphore(%run_scoped3A : memref<!tpu.dma_semaphore, #tpu.memory_space<semaphore_mem>>) src(%dma_wait3A_90 : memref<256xi32, #tpu.memory_space<vmem_shared>>) dst(%arg5 : memref<256xi32, #tpu.memory_space<smem>>)
        tpu.yield
      }) : () -> ()
      %scan3A_39 = arith.constant 0 : i32
      %scan3A_40 = arith.constant 0 : i32
      %scan3A_41 = arith.constant 256 : i32
      %scan3A_42 = arith.addi %scan3A_40, %scan3A_41 : i32
      %scan3A_43 = arith.constant 8 : i32
      scf.for %scan3A_87 = %scan3A_40 to %scan3A_42 step %scan3A_43  : i32 {
        %get3A = arith.index_cast %scan3A_87 : i32 to index
        %get3A_88 = memref.load %arg5[%get3A] : memref<256xi32, #tpu.memory_space<smem>>
        %shift_right_arithmetic3A = arith.constant 6 : i32
        %shift_right_arithmetic3A_89 = arith.shrsi %get3A_88, %shift_right_arithmetic3A : i32
        %and3A = arith.constant 63 : i32
        %and3A_90 = arith.andi %get3A_88, %and3A : i32
        %dma_start3A_91 = arith.constant 0 : i32
        %dma_start3A_92 = tpu.memref_slice %arg7[%scan3A_87, %dma_start3A_91] : memref<256x64xf32, #tpu.memory_space<vmem>> -> memref<1x64xf32, #tpu.memory_space<vmem>>
        %dma_start3A_93 = arith.constant 0 : i32
        %dma_start3A_94 = tpu.memref_slice %arg2[%shift_right_arithmetic3A_89, %and3A_90, %dma_start3A_93] : memref<15625x64x64xf32, #tpu.memory_space<hbm>> -> memref<1x1x64xf32, #tpu.memory_space<hbm>>
        %dma_start3A_95 = tpu.memref_squeeze %dma_start3A_94 : memref<1x1x64xf32, #tpu.memory_space<hbm>> -> memref<1x64xf32, #tpu.memory_space<hbm>>
        %dma_start3A_96 = arith.constant 0 : i32
        %dma_start3A_97 = tpu.memref_slice %arg7[%scan3A_87, %dma_start3A_96] : memref<256x64xf32, #tpu.memory_space<vmem>> -> memref<1x64xf32, #tpu.memory_space<vmem>>
        %dma_start3A_98 = arith.constant 0 : i32
        %dma_start3A_99 = tpu.memref_slice %arg2[%shift_right_arithmetic3A_89, %and3A_90, %dma_start3A_98] : memref<15625x64x64xf32, #tpu.memory_space<hbm>> -> memref<1x1x64xf32, #tpu.memory_space<hbm>>
        %dma_start3A_100 = tpu.memref_squeeze %dma_start3A_99 : memref<1x1x64xf32, #tpu.memory_space<hbm>> -> memref<1x64xf32, #tpu.memory_space<hbm>>
        tpu.enqueue_dma source(%dma_start3A_100 : memref<1x64xf32, #tpu.memory_space<hbm>>) target(%dma_start3A_97 : memref<1x64xf32, #tpu.memory_space<vmem>>) target_semaphore(%arg10 : memref<!tpu.dma_semaphore, #tpu.memory_space<semaphore_mem>>)
        %scan3A_101 = arith.constant 1 : i32
        %scan3A_102 = arith.addi %scan3A_87, %scan3A_101 : i32
        %get3A_103 = arith.index_cast %scan3A_102 : i32 to index
        %get3A_104 = memref.load %arg5[%get3A_103] : memref<256xi32, #tpu.memory_space<smem>>
        %shift_right_arithmetic3A_105 = arith.constant 6 : i32
        %shift_right_arithmetic3A_106 = arith.shrsi %get3A_104, %shift_right_arithmetic3A_105 : i32
        %and3A_107 = arith.constant 63 : i32
        %and3A_108 = arith.andi %get3A_104, %and3A_107 : i32
        %dma_start3A_109 = arith.constant 0 : i32
        %dma_start3A_110 = tpu.memref_slice %arg7[%scan3A_102, %dma_start3A_109] : memref<256x64xf32, #tpu.memory_space<vmem>> -> memref<1x64xf32, #tpu.memory_space<vmem>>
        %dma_start3A_111 = arith.constant 0 : i32
        %dma_start3A_112 = tpu.memref_slice %arg2[%shift_right_arithmetic3A_106, %and3A_108, %dma_start3A_111] : memref<15625x64x64xf32, #tpu.memory_space<hbm>> -> memref<1x1x64xf32, #tpu.memory_space<hbm>>
        %dma_start3A_113 = tpu.memref_squeeze %dma_start3A_112 : memref<1x1x64xf32, #tpu.memory_space<hbm>> -> memref<1x64xf32, #tpu.memory_space<hbm>>
        %dma_start3A_114 = arith.constant 0 : i32
        %dma_start3A_115 = tpu.memref_slice %arg7[%scan3A_102, %dma_start3A_114] : memref<256x64xf32, #tpu.memory_space<vmem>> -> memref<1x64xf32, #tpu.memory_space<vmem>>
        %dma_start3A_116 = arith.constant 0 : i32
        %dma_start3A_117 = tpu.memref_slice %arg2[%shift_right_arithmetic3A_106, %and3A_108, %dma_start3A_116] : memref<15625x64x64xf32, #tpu.memory_space<hbm>> -> memref<1x1x64xf32, #tpu.memory_space<hbm>>
        %dma_start3A_118 = tpu.memref_squeeze %dma_start3A_117 : memref<1x1x64xf32, #tpu.memory_space<hbm>> -> memref<1x64xf32, #tpu.memory_space<hbm>>
        tpu.enqueue_dma source(%dma_start3A_118 : memref<1x64xf32, #tpu.memory_space<hbm>>) target(%dma_start3A_115 : memref<1x64xf32, #tpu.memory_space<vmem>>) target_semaphore(%arg10 : memref<!tpu.dma_semaphore, #tpu.memory_space<semaphore_mem>>)
        %scan3A_119 = arith.constant 2 : i32
        %scan3A_120 = arith.addi %scan3A_87, %scan3A_119 : i32
        %get3A_121 = arith.index_cast %scan3A_120 : i32 to index
        %get3A_122 = memref.load %arg5[%get3A_121] : memref<256xi32, #tpu.memory_space<smem>>
        %shift_right_arithmetic3A_123 = arith.constant 6 : i32
        %shift_right_arithmetic3A_124 = arith.shrsi %get3A_122, %shift_right_arithmetic3A_123 : i32
        %and3A_125 = arith.constant 63 : i32
        %and3A_126 = arith.andi %get3A_122, %and3A_125 : i32
        %dma_start3A_127 = arith.constant 0 : i32
        %dma_start3A_128 = tpu.memref_slice %arg7[%scan3A_120, %dma_start3A_127] : memref<256x64xf32, #tpu.memory_space<vmem>> -> memref<1x64xf32, #tpu.memory_space<vmem>>
        %dma_start3A_129 = arith.constant 0 : i32
        %dma_start3A_130 = tpu.memref_slice %arg2[%shift_right_arithmetic3A_124, %and3A_126, %dma_start3A_129] : memref<15625x64x64xf32, #tpu.memory_space<hbm>> -> memref<1x1x64xf32, #tpu.memory_space<hbm>>
        %dma_start3A_131 = tpu.memref_squeeze %dma_start3A_130 : memref<1x1x64xf32, #tpu.memory_space<hbm>> -> memref<1x64xf32, #tpu.memory_space<hbm>>
        %dma_start3A_132 = arith.constant 0 : i32
        %dma_start3A_133 = tpu.memref_slice %arg7[%scan3A_120, %dma_start3A_132] : memref<256x64xf32, #tpu.memory_space<vmem>> -> memref<1x64xf32, #tpu.memory_space<vmem>>
        %dma_start3A_134 = arith.constant 0 : i32
        %dma_start3A_135 = tpu.memref_slice %arg2[%shift_right_arithmetic3A_124, %and3A_126, %dma_start3A_134] : memref<15625x64x64xf32, #tpu.memory_space<hbm>> -> memref<1x1x64xf32, #tpu.memory_space<hbm>>
        %dma_start3A_136 = tpu.memref_squeeze %dma_start3A_135 : memref<1x1x64xf32, #tpu.memory_space<hbm>> -> memref<1x64xf32, #tpu.memory_space<hbm>>
        tpu.enqueue_dma source(%dma_start3A_136 : memref<1x64xf32, #tpu.memory_space<hbm>>) target(%dma_start3A_133 : memref<1x64xf32, #tpu.memory_space<vmem>>) target_semaphore(%arg10 : memref<!tpu.dma_semaphore, #tpu.memory_space<semaphore_mem>>)
        %scan3A_137 = arith.constant 3 : i32
        %scan3A_138 = arith.addi %scan3A_87, %scan3A_137 : i32
        %get3A_139 = arith.index_cast %scan3A_138 : i32 to index
        %get3A_140 = memref.load %arg5[%get3A_139] : memref<256xi32, #tpu.memory_space<smem>>
        %shift_right_arithmetic3A_141 = arith.constant 6 : i32
        %shift_right_arithmetic3A_142 = arith.shrsi %get3A_140, %shift_right_arithmetic3A_141 : i32
        %and3A_143 = arith.constant 63 : i32
        %and3A_144 = arith.andi %get3A_140, %and3A_143 : i32
        %dma_start3A_145 = arith.constant 0 : i32
        %dma_start3A_146 = tpu.memref_slice %arg7[%scan3A_138, %dma_start3A_145] : memref<256x64xf32, #tpu.memory_space<vmem>> -> memref<1x64xf32, #tpu.memory_space<vmem>>
        %dma_start3A_147 = arith.constant 0 : i32
        %dma_start3A_148 = tpu.memref_slice %arg2[%shift_right_arithmetic3A_142, %and3A_144, %dma_start3A_147] : memref<15625x64x64xf32, #tpu.memory_space<hbm>> -> memref<1x1x64xf32, #tpu.memory_space<hbm>>
        %dma_start3A_149 = tpu.memref_squeeze %dma_start3A_148 : memref<1x1x64xf32, #tpu.memory_space<hbm>> -> memref<1x64xf32, #tpu.memory_space<hbm>>
        %dma_start3A_150 = arith.constant 0 : i32
        %dma_start3A_151 = tpu.memref_slice %arg7[%scan3A_138, %dma_start3A_150] : memref<256x64xf32, #tpu.memory_space<vmem>> -> memref<1x64xf32, #tpu.memory_space<vmem>>
        %dma_start3A_152 = arith.constant 0 : i32
        %dma_start3A_153 = tpu.memref_slice %arg2[%shift_right_arithmetic3A_142, %and3A_144, %dma_start3A_152] : memref<15625x64x64xf32, #tpu.memory_space<hbm>> -> memref<1x1x64xf32, #tpu.memory_space<hbm>>
        %dma_start3A_154 = tpu.memref_squeeze %dma_start3A_153 : memref<1x1x64xf32, #tpu.memory_space<hbm>> -> memref<1x64xf32, #tpu.memory_space<hbm>>
        tpu.enqueue_dma source(%dma_start3A_154 : memref<1x64xf32, #tpu.memory_space<hbm>>) target(%dma_start3A_151 : memref<1x64xf32, #tpu.memory_space<vmem>>) target_semaphore(%arg10 : memref<!tpu.dma_semaphore, #tpu.memory_space<semaphore_mem>>)
        %scan3A_155 = arith.constant 4 : i32
        %scan3A_156 = arith.addi %scan3A_87, %scan3A_155 : i32
        %get3A_157 = arith.index_cast %scan3A_156 : i32 to index
        %get3A_158 = memref.load %arg5[%get3A_157] : memref<256xi32, #tpu.memory_space<smem>>
        %shift_right_arithmetic3A_159 = arith.constant 6 : i32
        %shift_right_arithmetic3A_160 = arith.shrsi %get3A_158, %shift_right_arithmetic3A_159 : i32
        %and3A_161 = arith.constant 63 : i32
        %and3A_162 = arith.andi %get3A_158, %and3A_161 : i32
        %dma_start3A_163 = arith.constant 0 : i32
        %dma_start3A_164 = tpu.memref_slice %arg7[%scan3A_156, %dma_start3A_163] : memref<256x64xf32, #tpu.memory_space<vmem>> -> memref<1x64xf32, #tpu.memory_space<vmem>>
        %dma_start3A_165 = arith.constant 0 : i32
        %dma_start3A_166 = tpu.memref_slice %arg2[%shift_right_arithmetic3A_160, %and3A_162, %dma_start3A_165] : memref<15625x64x64xf32, #tpu.memory_space<hbm>> -> memref<1x1x64xf32, #tpu.memory_space<hbm>>
        %dma_start3A_167 = tpu.memref_squeeze %dma_start3A_166 : memref<1x1x64xf32, #tpu.memory_space<hbm>> -> memref<1x64xf32, #tpu.memory_space<hbm>>
        %dma_start3A_168 = arith.constant 0 : i32
        %dma_start3A_169 = tpu.memref_slice %arg7[%scan3A_156, %dma_start3A_168] : memref<256x64xf32, #tpu.memory_space<vmem>> -> memref<1x64xf32, #tpu.memory_space<vmem>>
        %dma_start3A_170 = arith.constant 0 : i32
        %dma_start3A_171 = tpu.memref_slice %arg2[%shift_right_arithmetic3A_160, %and3A_162, %dma_start3A_170] : memref<15625x64x64xf32, #tpu.memory_space<hbm>> -> memref<1x1x64xf32, #tpu.memory_space<hbm>>
        %dma_start3A_172 = tpu.memref_squeeze %dma_start3A_171 : memref<1x1x64xf32, #tpu.memory_space<hbm>> -> memref<1x64xf32, #tpu.memory_space<hbm>>
        tpu.enqueue_dma source(%dma_start3A_172 : memref<1x64xf32, #tpu.memory_space<hbm>>) target(%dma_start3A_169 : memref<1x64xf32, #tpu.memory_space<vmem>>) target_semaphore(%arg10 : memref<!tpu.dma_semaphore, #tpu.memory_space<semaphore_mem>>)
        %scan3A_173 = arith.constant 5 : i32
        %scan3A_174 = arith.addi %scan3A_87, %scan3A_173 : i32
        %get3A_175 = arith.index_cast %scan3A_174 : i32 to index
        %get3A_176 = memref.load %arg5[%get3A_175] : memref<256xi32, #tpu.memory_space<smem>>
        %shift_right_arithmetic3A_177 = arith.constant 6 : i32
        %shift_right_arithmetic3A_178 = arith.shrsi %get3A_176, %shift_right_arithmetic3A_177 : i32
        %and3A_179 = arith.constant 63 : i32
        %and3A_180 = arith.andi %get3A_176, %and3A_179 : i32
        %dma_start3A_181 = arith.constant 0 : i32
        %dma_start3A_182 = tpu.memref_slice %arg7[%scan3A_174, %dma_start3A_181] : memref<256x64xf32, #tpu.memory_space<vmem>> -> memref<1x64xf32, #tpu.memory_space<vmem>>
        %dma_start3A_183 = arith.constant 0 : i32
        %dma_start3A_184 = tpu.memref_slice %arg2[%shift_right_arithmetic3A_178, %and3A_180, %dma_start3A_183] : memref<15625x64x64xf32, #tpu.memory_space<hbm>> -> memref<1x1x64xf32, #tpu.memory_space<hbm>>
        %dma_start3A_185 = tpu.memref_squeeze %dma_start3A_184 : memref<1x1x64xf32, #tpu.memory_space<hbm>> -> memref<1x64xf32, #tpu.memory_space<hbm>>
        %dma_start3A_186 = arith.constant 0 : i32
        %dma_start3A_187 = tpu.memref_slice %arg7[%scan3A_174, %dma_start3A_186] : memref<256x64xf32, #tpu.memory_space<vmem>> -> memref<1x64xf32, #tpu.memory_space<vmem>>
        %dma_start3A_188 = arith.constant 0 : i32
        %dma_start3A_189 = tpu.memref_slice %arg2[%shift_right_arithmetic3A_178, %and3A_180, %dma_start3A_188] : memref<15625x64x64xf32, #tpu.memory_space<hbm>> -> memref<1x1x64xf32, #tpu.memory_space<hbm>>
        %dma_start3A_190 = tpu.memref_squeeze %dma_start3A_189 : memref<1x1x64xf32, #tpu.memory_space<hbm>> -> memref<1x64xf32, #tpu.memory_space<hbm>>
        tpu.enqueue_dma source(%dma_start3A_190 : memref<1x64xf32, #tpu.memory_space<hbm>>) target(%dma_start3A_187 : memref<1x64xf32, #tpu.memory_space<vmem>>) target_semaphore(%arg10 : memref<!tpu.dma_semaphore, #tpu.memory_space<semaphore_mem>>)
        %scan3A_191 = arith.constant 6 : i32
        %scan3A_192 = arith.addi %scan3A_87, %scan3A_191 : i32
        %get3A_193 = arith.index_cast %scan3A_192 : i32 to index
        %get3A_194 = memref.load %arg5[%get3A_193] : memref<256xi32, #tpu.memory_space<smem>>
        %shift_right_arithmetic3A_195 = arith.constant 6 : i32
        %shift_right_arithmetic3A_196 = arith.shrsi %get3A_194, %shift_right_arithmetic3A_195 : i32
        %and3A_197 = arith.constant 63 : i32
        %and3A_198 = arith.andi %get3A_194, %and3A_197 : i32
        %dma_start3A_199 = arith.constant 0 : i32
        %dma_start3A_200 = tpu.memref_slice %arg7[%scan3A_192, %dma_start3A_199] : memref<256x64xf32, #tpu.memory_space<vmem>> -> memref<1x64xf32, #tpu.memory_space<vmem>>
        %dma_start3A_201 = arith.constant 0 : i32
        %dma_start3A_202 = tpu.memref_slice %arg2[%shift_right_arithmetic3A_196, %and3A_198, %dma_start3A_201] : memref<15625x64x64xf32, #tpu.memory_space<hbm>> -> memref<1x1x64xf32, #tpu.memory_space<hbm>>
        %dma_start3A_203 = tpu.memref_squeeze %dma_start3A_202 : memref<1x1x64xf32, #tpu.memory_space<hbm>> -> memref<1x64xf32, #tpu.memory_space<hbm>>
        %dma_start3A_204 = arith.constant 0 : i32
        %dma_start3A_205 = tpu.memref_slice %arg7[%scan3A_192, %dma_start3A_204] : memref<256x64xf32, #tpu.memory_space<vmem>> -> memref<1x64xf32, #tpu.memory_space<vmem>>
        %dma_start3A_206 = arith.constant 0 : i32
        %dma_start3A_207 = tpu.memref_slice %arg2[%shift_right_arithmetic3A_196, %and3A_198, %dma_start3A_206] : memref<15625x64x64xf32, #tpu.memory_space<hbm>> -> memref<1x1x64xf32, #tpu.memory_space<hbm>>
        %dma_start3A_208 = tpu.memref_squeeze %dma_start3A_207 : memref<1x1x64xf32, #tpu.memory_space<hbm>> -> memref<1x64xf32, #tpu.memory_space<hbm>>
        tpu.enqueue_dma source(%dma_start3A_208 : memref<1x64xf32, #tpu.memory_space<hbm>>) target(%dma_start3A_205 : memref<1x64xf32, #tpu.memory_space<vmem>>) target_semaphore(%arg10 : memref<!tpu.dma_semaphore, #tpu.memory_space<semaphore_mem>>)
        %scan3A_209 = arith.constant 7 : i32
        %scan3A_210 = arith.addi %scan3A_87, %scan3A_209 : i32
        %get3A_211 = arith.index_cast %scan3A_210 : i32 to index
        %get3A_212 = memref.load %arg5[%get3A_211] : memref<256xi32, #tpu.memory_space<smem>>
        %shift_right_arithmetic3A_213 = arith.constant 6 : i32
        %shift_right_arithmetic3A_214 = arith.shrsi %get3A_212, %shift_right_arithmetic3A_213 : i32
        %and3A_215 = arith.constant 63 : i32
        %and3A_216 = arith.andi %get3A_212, %and3A_215 : i32
        %dma_start3A_217 = arith.constant 0 : i32
        %dma_start3A_218 = tpu.memref_slice %arg7[%scan3A_210, %dma_start3A_217] : memref<256x64xf32, #tpu.memory_space<vmem>> -> memref<1x64xf32, #tpu.memory_space<vmem>>
        %dma_start3A_219 = arith.constant 0 : i32
        %dma_start3A_220 = tpu.memref_slice %arg2[%shift_right_arithmetic3A_214, %and3A_216, %dma_start3A_219] : memref<15625x64x64xf32, #tpu.memory_space<hbm>> -> memref<1x1x64xf32, #tpu.memory_space<hbm>>
        %dma_start3A_221 = tpu.memref_squeeze %dma_start3A_220 : memref<1x1x64xf32, #tpu.memory_space<hbm>> -> memref<1x64xf32, #tpu.memory_space<hbm>>
        %dma_start3A_222 = arith.constant 0 : i32
        %dma_start3A_223 = tpu.memref_slice %arg7[%scan3A_210, %dma_start3A_222] : memref<256x64xf32, #tpu.memory_space<vmem>> -> memref<1x64xf32, #tpu.memory_space<vmem>>
        %dma_start3A_224 = arith.constant 0 : i32
        %dma_start3A_225 = tpu.memref_slice %arg2[%shift_right_arithmetic3A_214, %and3A_216, %dma_start3A_224] : memref<15625x64x64xf32, #tpu.memory_space<hbm>> -> memref<1x1x64xf32, #tpu.memory_space<hbm>>
        %dma_start3A_226 = tpu.memref_squeeze %dma_start3A_225 : memref<1x1x64xf32, #tpu.memory_space<hbm>> -> memref<1x64xf32, #tpu.memory_space<hbm>>
        tpu.enqueue_dma source(%dma_start3A_226 : memref<1x64xf32, #tpu.memory_space<hbm>>) target(%dma_start3A_223 : memref<1x64xf32, #tpu.memory_space<vmem>>) target_semaphore(%arg10 : memref<!tpu.dma_semaphore, #tpu.memory_space<semaphore_mem>>)
      }
      %scan3A_44 = arith.constant 256 : i32
      %dma_wait3A_45 = arith.constant 0 : i32
      %dma_wait3A_46 = tpu.memref_slice %arg4[%mul3A_2, %dma_wait3A_45] : memref<204800x64xf32, #tpu.memory_space<hbm>> -> memref<256x64xf32, #tpu.memory_space<hbm>>
      %dma_wait3A_47 = arith.constant 0 : i32
      %dma_wait3A_48 = tpu.memref_slice %arg4[%mul3A_2, %dma_wait3A_47] : memref<204800x64xf32, #tpu.memory_space<hbm>> -> memref<256x64xf32, #tpu.memory_space<hbm>>
      tpu.wait_dma2 semaphore(%arg9 : memref<!tpu.dma_semaphore, #tpu.memory_space<semaphore_mem>>) src(%dma_wait3A_48 : memref<256x64xf32, #tpu.memory_space<hbm>>) dst(%arg6 : memref<256x64xf32, #tpu.memory_space<vmem>>)
      %scan3A_49 = arith.constant 0 : i32
      %scan3A_50 = arith.constant 0 : i32
      %scan3A_51 = arith.constant 256 : i32
      %scan3A_52 = arith.addi %scan3A_50, %scan3A_51 : i32
      %scan3A_53 = arith.constant 4 : i32
      scf.for %scan3A_87 = %scan3A_50 to %scan3A_52 step %scan3A_53  : i32 {
        %get3A = arith.index_cast %scan3A_87 : i32 to index
        %get3A_88 = arith.constant 0 : index
        %get3A_89 = tpu.vector_load %arg6[%get3A, %get3A_88] {strides = array<i32>} : memref<256x64xf32, #tpu.memory_space<vmem>>, vector<16xf32>,
        %get3A_90 = arith.index_cast %scan3A_87 : i32 to index
        %get3A_91 = arith.constant 0 : index
        %get3A_92 = tpu.vector_load %arg6[%get3A_90, %get3A_91] {strides = array<i32>} : memref<256x64xf32, #tpu.memory_space<vmem>>, vector<16xf32>,
        %add3A_93 = arith.addf %get3A_89, %get3A_92 : vector<16xf32>
        %swap3A = arith.index_cast %scan3A_87 : i32 to index
        %swap3A_94 = arith.constant 0 : index
        %swap3A_95 = tpu.vector_load %arg6[%swap3A, %swap3A_94] {strides = array<i32>} : memref<256x64xf32, #tpu.memory_space<vmem>>, vector<16xf32>,
        tpu.vector_store %arg6[%swap3A, %swap3A_94], %add3A_93 {strides = array<i32>} : memref<256x64xf32, #tpu.memory_space<vmem>>, vector<16xf32>,
        %get3A_96 = arith.index_cast %scan3A_87 : i32 to index
        %get3A_97 = arith.constant 16 : index
        %get3A_98 = tpu.vector_load %arg6[%get3A_96, %get3A_97] {strides = array<i32>} : memref<256x64xf32, #tpu.memory_space<vmem>>, vector<16xf32>,
        %get3A_99 = arith.index_cast %scan3A_87 : i32 to index
        %get3A_100 = arith.constant 16 : index
        %get3A_101 = tpu.vector_load %arg6[%get3A_99, %get3A_100] {strides = array<i32>} : memref<256x64xf32, #tpu.memory_space<vmem>>, vector<16xf32>,
        %add3A_102 = arith.addf %get3A_98, %get3A_101 : vector<16xf32>
        %swap3A_103 = arith.index_cast %scan3A_87 : i32 to index
        %swap3A_104 = arith.constant 16 : index
        %swap3A_105 = tpu.vector_load %arg6[%swap3A_103, %swap3A_104] {strides = array<i32>} : memref<256x64xf32, #tpu.memory_space<vmem>>, vector<16xf32>,
        tpu.vector_store %arg6[%swap3A_103, %swap3A_104], %add3A_102 {strides = array<i32>} : memref<256x64xf32, #tpu.memory_space<vmem>>, vector<16xf32>,
        %get3A_106 = arith.index_cast %scan3A_87 : i32 to index
        %get3A_107 = arith.constant 32 : index
        %get3A_108 = tpu.vector_load %arg6[%get3A_106, %get3A_107] {strides = array<i32>} : memref<256x64xf32, #tpu.memory_space<vmem>>, vector<16xf32>,
        %get3A_109 = arith.index_cast %scan3A_87 : i32 to index
        %get3A_110 = arith.constant 32 : index
        %get3A_111 = tpu.vector_load %arg6[%get3A_109, %get3A_110] {strides = array<i32>} : memref<256x64xf32, #tpu.memory_space<vmem>>, vector<16xf32>,
        %add3A_112 = arith.addf %get3A_108, %get3A_111 : vector<16xf32>
        %swap3A_113 = arith.index_cast %scan3A_87 : i32 to index
        %swap3A_114 = arith.constant 32 : index
        %swap3A_115 = tpu.vector_load %arg6[%swap3A_113, %swap3A_114] {strides = array<i32>} : memref<256x64xf32, #tpu.memory_space<vmem>>, vector<16xf32>,
        tpu.vector_store %arg6[%swap3A_113, %swap3A_114], %add3A_112 {strides = array<i32>} : memref<256x64xf32, #tpu.memory_space<vmem>>, vector<16xf32>,
        %get3A_116 = arith.index_cast %scan3A_87 : i32 to index
        %get3A_117 = arith.constant 48 : index
        %get3A_118 = tpu.vector_load %arg6[%get3A_116, %get3A_117] {strides = array<i32>} : memref<256x64xf32, #tpu.memory_space<vmem>>, vector<16xf32>,
        %get3A_119 = arith.index_cast %scan3A_87 : i32 to index
        %get3A_120 = arith.constant 48 : index
        %get3A_121 = tpu.vector_load %arg6[%get3A_119, %get3A_120] {strides = array<i32>} : memref<256x64xf32, #tpu.memory_space<vmem>>, vector<16xf32>,
        %add3A_122 = arith.addf %get3A_118, %get3A_121 : vector<16xf32>
        %swap3A_123 = arith.index_cast %scan3A_87 : i32 to index
        %swap3A_124 = arith.constant 48 : index
        %swap3A_125 = tpu.vector_load %arg6[%swap3A_123, %swap3A_124] {strides = array<i32>} : memref<256x64xf32, #tpu.memory_space<vmem>>, vector<16xf32>,
        tpu.vector_store %arg6[%swap3A_123, %swap3A_124], %add3A_122 {strides = array<i32>} : memref<256x64xf32, #tpu.memory_space<vmem>>, vector<16xf32>,
        %scan3A_126 = arith.constant 1 : i32
        %scan3A_127 = arith.addi %scan3A_87, %scan3A_126 : i32
        %get3A_128 = arith.index_cast %scan3A_127 : i32 to index
        %get3A_129 = arith.constant 0 : index
        %get3A_130 = tpu.vector_load %arg6[%get3A_128, %get3A_129] {strides = array<i32>} : memref<256x64xf32, #tpu.memory_space<vmem>>, vector<16xf32>,
        %get3A_131 = arith.index_cast %scan3A_127 : i32 to index
        %get3A_132 = arith.constant 0 : index
        %get3A_133 = tpu.vector_load %arg6[%get3A_131, %get3A_132] {strides = array<i32>} : memref<256x64xf32, #tpu.memory_space<vmem>>, vector<16xf32>,
        %add3A_134 = arith.addf %get3A_130, %get3A_133 : vector<16xf32>
        %swap3A_135 = arith.index_cast %scan3A_127 : i32 to index
        %swap3A_136 = arith.constant 0 : index
        %swap3A_137 = tpu.vector_load %arg6[%swap3A_135, %swap3A_136] {strides = array<i32>} : memref<256x64xf32, #tpu.memory_space<vmem>>, vector<16xf32>,
        tpu.vector_store %arg6[%swap3A_135, %swap3A_136], %add3A_134 {strides = array<i32>} : memref<256x64xf32, #tpu.memory_space<vmem>>, vector<16xf32>,
        %get3A_138 = arith.index_cast %scan3A_127 : i32 to index
        %get3A_139 = arith.constant 16 : index
        %get3A_140 = tpu.vector_load %arg6[%get3A_138, %get3A_139] {strides = array<i32>} : memref<256x64xf32, #tpu.memory_space<vmem>>, vector<16xf32>,
        %get3A_141 = arith.index_cast %scan3A_127 : i32 to index
        %get3A_142 = arith.constant 16 : index
        %get3A_143 = tpu.vector_load %arg6[%get3A_141, %get3A_142] {strides = array<i32>} : memref<256x64xf32, #tpu.memory_space<vmem>>, vector<16xf32>,
        %add3A_144 = arith.addf %get3A_140, %get3A_143 : vector<16xf32>
        %swap3A_145 = arith.index_cast %scan3A_127 : i32 to index
        %swap3A_146 = arith.constant 16 : index
        %swap3A_147 = tpu.vector_load %arg6[%swap3A_145, %swap3A_146] {strides = array<i32>} : memref<256x64xf32, #tpu.memory_space<vmem>>, vector<16xf32>,
        tpu.vector_store %arg6[%swap3A_145, %swap3A_146], %add3A_144 {strides = array<i32>} : memref<256x64xf32, #tpu.memory_space<vmem>>, vector<16xf32>,
        %get3A_148 = arith.index_cast %scan3A_127 : i32 to index
        %get3A_149 = arith.constant 32 : index
        %get3A_150 = tpu.vector_load %arg6[%get3A_148, %get3A_149] {strides = array<i32>} : memref<256x64xf32, #tpu.memory_space<vmem>>, vector<16xf32>,
        %get3A_151 = arith.index_cast %scan3A_127 : i32 to index
        %get3A_152 = arith.constant 32 : index
        %get3A_153 = tpu.vector_load %arg6[%get3A_151, %get3A_152] {strides = array<i32>} : memref<256x64xf32, #tpu.memory_space<vmem>>, vector<16xf32>,
        %add3A_154 = arith.addf %get3A_150, %get3A_153 : vector<16xf32>
        %swap3A_155 = arith.index_cast %scan3A_127 : i32 to index
        %swap3A_156 = arith.constant 32 : index
        %swap3A_157 = tpu.vector_load %arg6[%swap3A_155, %swap3A_156] {strides = array<i32>} : memref<256x64xf32, #tpu.memory_space<vmem>>, vector<16xf32>,
        tpu.vector_store %arg6[%swap3A_155, %swap3A_156], %add3A_154 {strides = array<i32>} : memref<256x64xf32, #tpu.memory_space<vmem>>, vector<16xf32>,
        %get3A_158 = arith.index_cast %scan3A_127 : i32 to index
        %get3A_159 = arith.constant 48 : index
        %get3A_160 = tpu.vector_load %arg6[%get3A_158, %get3A_159] {strides = array<i32>} : memref<256x64xf32, #tpu.memory_space<vmem>>, vector<16xf32>,
        %get3A_161 = arith.index_cast %scan3A_127 : i32 to index
        %get3A_162 = arith.constant 48 : index
        %get3A_163 = tpu.vector_load %arg6[%get3A_161, %get3A_162] {strides = array<i32>} : memref<256x64xf32, #tpu.memory_space<vmem>>, vector<16xf32>,
        %add3A_164 = arith.addf %get3A_160, %get3A_163 : vector<16xf32>
        %swap3A_165 = arith.index_cast %scan3A_127 : i32 to index
        %swap3A_166 = arith.constant 48 : index
        %swap3A_167 = tpu.vector_load %arg6[%swap3A_165, %swap3A_166] {strides = array<i32>} : memref<256x64xf32, #tpu.memory_space<vmem>>, vector<16xf32>,
        tpu.vector_store %arg6[%swap3A_165, %swap3A_166], %add3A_164 {strides = array<i32>} : memref<256x64xf32, #tpu.memory_space<vmem>>, vector<16xf32>,
        %scan3A_168 = arith.constant 2 : i32
        %scan3A_169 = arith.addi %scan3A_87, %scan3A_168 : i32
        %get3A_170 = arith.index_cast %scan3A_169 : i32 to index
        %get3A_171 = arith.constant 0 : index
        %get3A_172 = tpu.vector_load %arg6[%get3A_170, %get3A_171] {strides = array<i32>} : memref<256x64xf32, #tpu.memory_space<vmem>>, vector<16xf32>,
        %get3A_173 = arith.index_cast %scan3A_169 : i32 to index
        %get3A_174 = arith.constant 0 : index
        %get3A_175 = tpu.vector_load %arg6[%get3A_173, %get3A_174] {strides = array<i32>} : memref<256x64xf32, #tpu.memory_space<vmem>>, vector<16xf32>,
        %add3A_176 = arith.addf %get3A_172, %get3A_175 : vector<16xf32>
        %swap3A_177 = arith.index_cast %scan3A_169 : i32 to index
        %swap3A_178 = arith.constant 0 : index
        %swap3A_179 = tpu.vector_load %arg6[%swap3A_177, %swap3A_178] {strides = array<i32>} : memref<256x64xf32, #tpu.memory_space<vmem>>, vector<16xf32>,
        tpu.vector_store %arg6[%swap3A_177, %swap3A_178], %add3A_176 {strides = array<i32>} : memref<256x64xf32, #tpu.memory_space<vmem>>, vector<16xf32>,
        %get3A_180 = arith.index_cast %scan3A_169 : i32 to index
        %get3A_181 = arith.constant 16 : index
        %get3A_182 = tpu.vector_load %arg6[%get3A_180, %get3A_181] {strides = array<i32>} : memref<256x64xf32, #tpu.memory_space<vmem>>, vector<16xf32>,
        %get3A_183 = arith.index_cast %scan3A_169 : i32 to index
        %get3A_184 = arith.constant 16 : index
        %get3A_185 = tpu.vector_load %arg6[%get3A_183, %get3A_184] {strides = array<i32>} : memref<256x64xf32, #tpu.memory_space<vmem>>, vector<16xf32>,
        %add3A_186 = arith.addf %get3A_182, %get3A_185 : vector<16xf32>
        %swap3A_187 = arith.index_cast %scan3A_169 : i32 to index
        %swap3A_188 = arith.constant 16 : index
        %swap3A_189 = tpu.vector_load %arg6[%swap3A_187, %swap3A_188] {strides = array<i32>} : memref<256x64xf32, #tpu.memory_space<vmem>>, vector<16xf32>,
        tpu.vector_store %arg6[%swap3A_187, %swap3A_188], %add3A_186 {strides = array<i32>} : memref<256x64xf32, #tpu.memory_space<vmem>>, vector<16xf32>,
        %get3A_190 = arith.index_cast %scan3A_169 : i32 to index
        %get3A_191 = arith.constant 32 : index
        %get3A_192 = tpu.vector_load %arg6[%get3A_190, %get3A_191] {strides = array<i32>} : memref<256x64xf32, #tpu.memory_space<vmem>>, vector<16xf32>,
        %get3A_193 = arith.index_cast %scan3A_169 : i32 to index
        %get3A_194 = arith.constant 32 : index
        %get3A_195 = tpu.vector_load %arg6[%get3A_193, %get3A_194] {strides = array<i32>} : memref<256x64xf32, #tpu.memory_space<vmem>>, vector<16xf32>,
        %add3A_196 = arith.addf %get3A_192, %get3A_195 : vector<16xf32>
        %swap3A_197 = arith.index_cast %scan3A_169 : i32 to index
        %swap3A_198 = arith.constant 32 : index
        %swap3A_199 = tpu.vector_load %arg6[%swap3A_197, %swap3A_198] {strides = array<i32>} : memref<256x64xf32, #tpu.memory_space<vmem>>, vector<16xf32>,
        tpu.vector_store %arg6[%swap3A_197, %swap3A_198], %add3A_196 {strides = array<i32>} : memref<256x64xf32, #tpu.memory_space<vmem>>, vector<16xf32>,
        %get3A_200 = arith.index_cast %scan3A_169 : i32 to index
        %get3A_201 = arith.constant 48 : index
        %get3A_202 = tpu.vector_load %arg6[%get3A_200, %get3A_201] {strides = array<i32>} : memref<256x64xf32, #tpu.memory_space<vmem>>, vector<16xf32>,
        %get3A_203 = arith.index_cast %scan3A_169 : i32 to index
        %get3A_204 = arith.constant 48 : index
        %get3A_205 = tpu.vector_load %arg6[%get3A_203, %get3A_204] {strides = array<i32>} : memref<256x64xf32, #tpu.memory_space<vmem>>, vector<16xf32>,
        %add3A_206 = arith.addf %get3A_202, %get3A_205 : vector<16xf32>
        %swap3A_207 = arith.index_cast %scan3A_169 : i32 to index
        %swap3A_208 = arith.constant 48 : index
        %swap3A_209 = tpu.vector_load %arg6[%swap3A_207, %swap3A_208] {strides = array<i32>} : memref<256x64xf32, #tpu.memory_space<vmem>>, vector<16xf32>,
        tpu.vector_store %arg6[%swap3A_207, %swap3A_208], %add3A_206 {strides = array<i32>} : memref<256x64xf32, #tpu.memory_space<vmem>>, vector<16xf32>,
        %scan3A_210 = arith.constant 3 : i32
        %scan3A_211 = arith.addi %scan3A_87, %scan3A_210 : i32
        %get3A_212 = arith.index_cast %scan3A_211 : i32 to index
        %get3A_213 = arith.constant 0 : index
        %get3A_214 = tpu.vector_load %arg6[%get3A_212, %get3A_213] {strides = array<i32>} : memref<256x64xf32, #tpu.memory_space<vmem>>, vector<16xf32>,
        %get3A_215 = arith.index_cast %scan3A_211 : i32 to index
        %get3A_216 = arith.constant 0 : index
        %get3A_217 = tpu.vector_load %arg6[%get3A_215, %get3A_216] {strides = array<i32>} : memref<256x64xf32, #tpu.memory_space<vmem>>, vector<16xf32>,
        %add3A_218 = arith.addf %get3A_214, %get3A_217 : vector<16xf32>
        %swap3A_219 = arith.index_cast %scan3A_211 : i32 to index
        %swap3A_220 = arith.constant 0 : index
        %swap3A_221 = tpu.vector_load %arg6[%swap3A_219, %swap3A_220] {strides = array<i32>} : memref<256x64xf32, #tpu.memory_space<vmem>>, vector<16xf32>,
        tpu.vector_store %arg6[%swap3A_219, %swap3A_220], %add3A_218 {strides = array<i32>} : memref<256x64xf32, #tpu.memory_space<vmem>>, vector<16xf32>,
        %get3A_222 = arith.index_cast %scan3A_211 : i32 to index
        %get3A_223 = arith.constant 16 : index
        %get3A_224 = tpu.vector_load %arg6[%get3A_222, %get3A_223] {strides = array<i32>} : memref<256x64xf32, #tpu.memory_space<vmem>>, vector<16xf32>,
        %get3A_225 = arith.index_cast %scan3A_211 : i32 to index
        %get3A_226 = arith.constant 16 : index
        %get3A_227 = tpu.vector_load %arg6[%get3A_225, %get3A_226] {strides = array<i32>} : memref<256x64xf32, #tpu.memory_space<vmem>>, vector<16xf32>,
        %add3A_228 = arith.addf %get3A_224, %get3A_227 : vector<16xf32>
        %swap3A_229 = arith.index_cast %scan3A_211 : i32 to index
        %swap3A_230 = arith.constant 16 : index
        %swap3A_231 = tpu.vector_load %arg6[%swap3A_229, %swap3A_230] {strides = array<i32>} : memref<256x64xf32, #tpu.memory_space<vmem>>, vector<16xf32>,
        tpu.vector_store %arg6[%swap3A_229, %swap3A_230], %add3A_228 {strides = array<i32>} : memref<256x64xf32, #tpu.memory_space<vmem>>, vector<16xf32>,
        %get3A_232 = arith.index_cast %scan3A_211 : i32 to index
        %get3A_233 = arith.constant 32 : index
        %get3A_234 = tpu.vector_load %arg6[%get3A_232, %get3A_233] {strides = array<i32>} : memref<256x64xf32, #tpu.memory_space<vmem>>, vector<16xf32>,
        %get3A_235 = arith.index_cast %scan3A_211 : i32 to index
        %get3A_236 = arith.constant 32 : index
        %get3A_237 = tpu.vector_load %arg6[%get3A_235, %get3A_236] {strides = array<i32>} : memref<256x64xf32, #tpu.memory_space<vmem>>, vector<16xf32>,
        %add3A_238 = arith.addf %get3A_234, %get3A_237 : vector<16xf32>
        %swap3A_239 = arith.index_cast %scan3A_211 : i32 to index
        %swap3A_240 = arith.constant 32 : index
        %swap3A_241 = tpu.vector_load %arg6[%swap3A_239, %swap3A_240] {strides = array<i32>} : memref<256x64xf32, #tpu.memory_space<vmem>>, vector<16xf32>,
        tpu.vector_store %arg6[%swap3A_239, %swap3A_240], %add3A_238 {strides = array<i32>} : memref<256x64xf32, #tpu.memory_space<vmem>>, vector<16xf32>,
        %get3A_242 = arith.index_cast %scan3A_211 : i32 to index
        %get3A_243 = arith.constant 48 : index
        %get3A_244 = tpu.vector_load %arg6[%get3A_242, %get3A_243] {strides = array<i32>} : memref<256x64xf32, #tpu.memory_space<vmem>>, vector<16xf32>,
        %get3A_245 = arith.index_cast %scan3A_211 : i32 to index
        %get3A_246 = arith.constant 48 : index
        %get3A_247 = tpu.vector_load %arg6[%get3A_245, %get3A_246] {strides = array<i32>} : memref<256x64xf32, #tpu.memory_space<vmem>>, vector<16xf32>,
        %add3A_248 = arith.addf %get3A_244, %get3A_247 : vector<16xf32>
        %swap3A_249 = arith.index_cast %scan3A_211 : i32 to index
        %swap3A_250 = arith.constant 48 : index
        %swap3A_251 = tpu.vector_load %arg6[%swap3A_249, %swap3A_250] {strides = array<i32>} : memref<256x64xf32, #tpu.memory_space<vmem>>, vector<16xf32>,
        tpu.vector_store %arg6[%swap3A_249, %swap3A_250], %add3A_248 {strides = array<i32>} : memref<256x64xf32, #tpu.memory_space<vmem>>, vector<16xf32>,
      }
      %scan3A_54 = arith.constant 256 : i32
      %mul3A_55 = arith.constant 256 : i32
      %mul3A_56 = arith.muli %mul3A_34, %mul3A_55 : i32
      %add3A_57 = arith.addi %mul3A_2, %mul3A_56 : i32
      %dma_start3A_58 = arith.constant 0 : i32
      %dma_start3A_59 = tpu.memref_slice %arg4[%add3A_57, %dma_start3A_58] : memref<204800x64xf32, #tpu.memory_space<hbm>> -> memref<256x64xf32, #tpu.memory_space<hbm>>
      %dma_start3A_60 = arith.constant 0 : i32
      %dma_start3A_61 = tpu.memref_slice %arg4[%add3A_57, %dma_start3A_60] : memref<204800x64xf32, #tpu.memory_space<hbm>> -> memref<256x64xf32, #tpu.memory_space<hbm>>
      tpu.enqueue_dma source(%arg6 : memref<256x64xf32, #tpu.memory_space<vmem>>) target(%dma_start3A_61 : memref<256x64xf32, #tpu.memory_space<hbm>>) target_semaphore(%arg11 : memref<!tpu.dma_semaphore, #tpu.memory_space<semaphore_mem>>)
      %add3A_62 = arith.constant 1 : i32
      %add3A_63 = arith.addi %add3A_36, %add3A_62 : i32
      %lt3A = arith.constant 25 : i32
      %lt3A_64 = arith.cmpi slt, %add3A_63, %lt3A : i32
      %convert_element_type3A = arith.extui %lt3A_64 : i1 to i32
      %cond3A = arith.constant 0 : i32
      %cond3A_65 = arith.cmpi ne, %convert_element_type3A, %cond3A : i32
      scf.if %cond3A_65 {
        %add3A_87 = arith.constant 1 : i32
        %add3A_88 = arith.addi %add3A_36, %add3A_87 : i32
        %mul3A_89 = arith.constant 256 : i32
        %mul3A_90 = arith.muli %add3A_88, %mul3A_89 : i32
        "tpu.region"() ({
          %run_scoped3A = tpu.sem_alloc : memref<!tpu.dma_semaphore, #tpu.memory_space<semaphore_mem>>
          %dma_start3A_101 = tpu.memref_slice %arg8[%arg1, %mul3A_90] : memref<16x6400xi32, #tpu.memory_space<vmem_shared>> -> memref<1x256xi32, #tpu.memory_space<vmem_shared>>
          %dma_start3A_102 = tpu.memref_squeeze %dma_start3A_101 : memref<1x256xi32, #tpu.memory_space<vmem_shared>> -> memref<256xi32, #tpu.memory_space<vmem_shared>>
          tpu.enqueue_dma source(%dma_start3A_102 : memref<256xi32, #tpu.memory_space<vmem_shared>>) target(%arg5 : memref<256xi32, #tpu.memory_space<smem>>) target_semaphore(%run_scoped3A : memref<!tpu.dma_semaphore, #tpu.memory_space<semaphore_mem>>)
          %dma_wait3A_103 = tpu.memref_slice %arg8[%arg1, %mul3A_90] : memref<16x6400xi32, #tpu.memory_space<vmem_shared>> -> memref<1x256xi32, #tpu.memory_space<vmem_shared>>
          %dma_wait3A_104 = tpu.memref_squeeze %dma_wait3A_103 : memref<1x256xi32, #tpu.memory_space<vmem_shared>> -> memref<256xi32, #tpu.memory_space<vmem_shared>>
          tpu.wait_dma2 semaphore(%run_scoped3A : memref<!tpu.dma_semaphore, #tpu.memory_space<semaphore_mem>>) src(%dma_wait3A_104 : memref<256xi32, #tpu.memory_space<vmem_shared>>) dst(%arg5 : memref<256xi32, #tpu.memory_space<smem>>)
          tpu.yield
        }) : () -> ()
        %dma_wait3A_91 = arith.constant 0 : i32
        %dma_wait3A_92 = tpu.memref_slice %arg4[%mul3A_2, %dma_wait3A_91] : memref<204800x64xf32, #tpu.memory_space<hbm>> -> memref<256x64xf32, #tpu.memory_space<hbm>>
        %dma_wait3A_93 = arith.constant 0 : i32
        %dma_wait3A_94 = tpu.memref_slice %arg4[%mul3A_2, %dma_wait3A_93] : memref<204800x64xf32, #tpu.memory_space<hbm>> -> memref<256x64xf32, #tpu.memory_space<hbm>>
        tpu.wait_dma2 semaphore(%arg11 : memref<!tpu.dma_semaphore, #tpu.memory_space<semaphore_mem>>) src(%arg6 : memref<256x64xf32, #tpu.memory_space<vmem>>) dst(%dma_wait3A_94 : memref<256x64xf32, #tpu.memory_space<hbm>>)
        %scan3A_95 = arith.constant 0 : i32
        %scan3A_96 = arith.constant 0 : i32
        %scan3A_97 = arith.constant 256 : i32
        %scan3A_98 = arith.addi %scan3A_96, %scan3A_97 : i32
        %scan3A_99 = arith.constant 8 : i32
        scf.for %scan3A_101 = %scan3A_96 to %scan3A_98 step %scan3A_99  : i32 {
          %get3A = arith.index_cast %scan3A_101 : i32 to index
          %get3A_102 = memref.load %arg5[%get3A] : memref<256xi32, #tpu.memory_space<smem>>
          %shift_right_arithmetic3A = arith.constant 6 : i32
          %shift_right_arithmetic3A_103 = arith.shrsi %get3A_102, %shift_right_arithmetic3A : i32
          %and3A = arith.constant 63 : i32
          %and3A_104 = arith.andi %get3A_102, %and3A : i32
          %dma_start3A_105 = arith.constant 0 : i32
          %dma_start3A_106 = tpu.memref_slice %arg6[%scan3A_101, %dma_start3A_105] : memref<256x64xf32, #tpu.memory_space<vmem>> -> memref<1x64xf32, #tpu.memory_space<vmem>>
          %dma_start3A_107 = arith.constant 0 : i32
          %dma_start3A_108 = tpu.memref_slice %arg2[%shift_right_arithmetic3A_103, %and3A_104, %dma_start3A_107] : memref<15625x64x64xf32, #tpu.memory_space<hbm>> -> memref<1x1x64xf32, #tpu.memory_space<hbm>>
          %dma_start3A_109 = tpu.memref_squeeze %dma_start3A_108 : memref<1x1x64xf32, #tpu.memory_space<hbm>> -> memref<1x64xf32, #tpu.memory_space<hbm>>
          %dma_start3A_110 = arith.constant 0 : i32
          %dma_start3A_111 = tpu.memref_slice %arg6[%scan3A_101, %dma_start3A_110] : memref<256x64xf32, #tpu.memory_space<vmem>> -> memref<1x64xf32, #tpu.memory_space<vmem>>
          %dma_start3A_112 = arith.constant 0 : i32
          %dma_start3A_113 = tpu.memref_slice %arg2[%shift_right_arithmetic3A_103, %and3A_104, %dma_start3A_112] : memref<15625x64x64xf32, #tpu.memory_space<hbm>> -> memref<1x1x64xf32, #tpu.memory_space<hbm>>
          %dma_start3A_114 = tpu.memref_squeeze %dma_start3A_113 : memref<1x1x64xf32, #tpu.memory_space<hbm>> -> memref<1x64xf32, #tpu.memory_space<hbm>>
          tpu.enqueue_dma source(%dma_start3A_114 : memref<1x64xf32, #tpu.memory_space<hbm>>) target(%dma_start3A_111 : memref<1x64xf32, #tpu.memory_space<vmem>>) target_semaphore(%arg9 : memref<!tpu.dma_semaphore, #tpu.memory_space<semaphore_mem>>)
          %scan3A_115 = arith.constant 1 : i32
          %scan3A_116 = arith.addi %scan3A_101, %scan3A_115 : i32
          %get3A_117 = arith.index_cast %scan3A_116 : i32 to index
          %get3A_118 = memref.load %arg5[%get3A_117] : memref<256xi32, #tpu.memory_space<smem>>
          %shift_right_arithmetic3A_119 = arith.constant 6 : i32
          %shift_right_arithmetic3A_120 = arith.shrsi %get3A_118, %shift_right_arithmetic3A_119 : i32
          %and3A_121 = arith.constant 63 : i32
          %and3A_122 = arith.andi %get3A_118, %and3A_121 : i32
          %dma_start3A_123 = arith.constant 0 : i32
          %dma_start3A_124 = tpu.memref_slice %arg6[%scan3A_116, %dma_start3A_123] : memref<256x64xf32, #tpu.memory_space<vmem>> -> memref<1x64xf32, #tpu.memory_space<vmem>>
          %dma_start3A_125 = arith.constant 0 : i32
          %dma_start3A_126 = tpu.memref_slice %arg2[%shift_right_arithmetic3A_120, %and3A_122, %dma_start3A_125] : memref<15625x64x64xf32, #tpu.memory_space<hbm>> -> memref<1x1x64xf32, #tpu.memory_space<hbm>>
          %dma_start3A_127 = tpu.memref_squeeze %dma_start3A_126 : memref<1x1x64xf32, #tpu.memory_space<hbm>> -> memref<1x64xf32, #tpu.memory_space<hbm>>
          %dma_start3A_128 = arith.constant 0 : i32
          %dma_start3A_129 = tpu.memref_slice %arg6[%scan3A_116, %dma_start3A_128] : memref<256x64xf32, #tpu.memory_space<vmem>> -> memref<1x64xf32, #tpu.memory_space<vmem>>
          %dma_start3A_130 = arith.constant 0 : i32
          %dma_start3A_131 = tpu.memref_slice %arg2[%shift_right_arithmetic3A_120, %and3A_122, %dma_start3A_130] : memref<15625x64x64xf32, #tpu.memory_space<hbm>> -> memref<1x1x64xf32, #tpu.memory_space<hbm>>
          %dma_start3A_132 = tpu.memref_squeeze %dma_start3A_131 : memref<1x1x64xf32, #tpu.memory_space<hbm>> -> memref<1x64xf32, #tpu.memory_space<hbm>>
          tpu.enqueue_dma source(%dma_start3A_132 : memref<1x64xf32, #tpu.memory_space<hbm>>) target(%dma_start3A_129 : memref<1x64xf32, #tpu.memory_space<vmem>>) target_semaphore(%arg9 : memref<!tpu.dma_semaphore, #tpu.memory_space<semaphore_mem>>)
          %scan3A_133 = arith.constant 2 : i32
          %scan3A_134 = arith.addi %scan3A_101, %scan3A_133 : i32
          %get3A_135 = arith.index_cast %scan3A_134 : i32 to index
          %get3A_136 = memref.load %arg5[%get3A_135] : memref<256xi32, #tpu.memory_space<smem>>
          %shift_right_arithmetic3A_137 = arith.constant 6 : i32
          %shift_right_arithmetic3A_138 = arith.shrsi %get3A_136, %shift_right_arithmetic3A_137 : i32
          %and3A_139 = arith.constant 63 : i32
          %and3A_140 = arith.andi %get3A_136, %and3A_139 : i32
          %dma_start3A_141 = arith.constant 0 : i32
          %dma_start3A_142 = tpu.memref_slice %arg6[%scan3A_134, %dma_start3A_141] : memref<256x64xf32, #tpu.memory_space<vmem>> -> memref<1x64xf32, #tpu.memory_space<vmem>>
          %dma_start3A_143 = arith.constant 0 : i32
          %dma_start3A_144 = tpu.memref_slice %arg2[%shift_right_arithmetic3A_138, %and3A_140, %dma_start3A_143] : memref<15625x64x64xf32, #tpu.memory_space<hbm>> -> memref<1x1x64xf32, #tpu.memory_space<hbm>>
          %dma_start3A_145 = tpu.memref_squeeze %dma_start3A_144 : memref<1x1x64xf32, #tpu.memory_space<hbm>> -> memref<1x64xf32, #tpu.memory_space<hbm>>
          %dma_start3A_146 = arith.constant 0 : i32
          %dma_start3A_147 = tpu.memref_slice %arg6[%scan3A_134, %dma_start3A_146] : memref<256x64xf32, #tpu.memory_space<vmem>> -> memref<1x64xf32, #tpu.memory_space<vmem>>
          %dma_start3A_148 = arith.constant 0 : i32
          %dma_start3A_149 = tpu.memref_slice %arg2[%shift_right_arithmetic3A_138, %and3A_140, %dma_start3A_148] : memref<15625x64x64xf32, #tpu.memory_space<hbm>> -> memref<1x1x64xf32, #tpu.memory_space<hbm>>
          %dma_start3A_150 = tpu.memref_squeeze %dma_start3A_149 : memref<1x1x64xf32, #tpu.memory_space<hbm>> -> memref<1x64xf32, #tpu.memory_space<hbm>>
          tpu.enqueue_dma source(%dma_start3A_150 : memref<1x64xf32, #tpu.memory_space<hbm>>) target(%dma_start3A_147 : memref<1x64xf32, #tpu.memory_space<vmem>>) target_semaphore(%arg9 : memref<!tpu.dma_semaphore, #tpu.memory_space<semaphore_mem>>)
          %scan3A_151 = arith.constant 3 : i32
          %scan3A_152 = arith.addi %scan3A_101, %scan3A_151 : i32
          %get3A_153 = arith.index_cast %scan3A_152 : i32 to index
          %get3A_154 = memref.load %arg5[%get3A_153] : memref<256xi32, #tpu.memory_space<smem>>
          %shift_right_arithmetic3A_155 = arith.constant 6 : i32
          %shift_right_arithmetic3A_156 = arith.shrsi %get3A_154, %shift_right_arithmetic3A_155 : i32
          %and3A_157 = arith.constant 63 : i32
          %and3A_158 = arith.andi %get3A_154, %and3A_157 : i32
          %dma_start3A_159 = arith.constant 0 : i32
          %dma_start3A_160 = tpu.memref_slice %arg6[%scan3A_152, %dma_start3A_159] : memref<256x64xf32, #tpu.memory_space<vmem>> -> memref<1x64xf32, #tpu.memory_space<vmem>>
          %dma_start3A_161 = arith.constant 0 : i32
          %dma_start3A_162 = tpu.memref_slice %arg2[%shift_right_arithmetic3A_156, %and3A_158, %dma_start3A_161] : memref<15625x64x64xf32, #tpu.memory_space<hbm>> -> memref<1x1x64xf32, #tpu.memory_space<hbm>>
          %dma_start3A_163 = tpu.memref_squeeze %dma_start3A_162 : memref<1x1x64xf32, #tpu.memory_space<hbm>> -> memref<1x64xf32, #tpu.memory_space<hbm>>
          %dma_start3A_164 = arith.constant 0 : i32
          %dma_start3A_165 = tpu.memref_slice %arg6[%scan3A_152, %dma_start3A_164] : memref<256x64xf32, #tpu.memory_space<vmem>> -> memref<1x64xf32, #tpu.memory_space<vmem>>
          %dma_start3A_166 = arith.constant 0 : i32
          %dma_start3A_167 = tpu.memref_slice %arg2[%shift_right_arithmetic3A_156, %and3A_158, %dma_start3A_166] : memref<15625x64x64xf32, #tpu.memory_space<hbm>> -> memref<1x1x64xf32, #tpu.memory_space<hbm>>
          %dma_start3A_168 = tpu.memref_squeeze %dma_start3A_167 : memref<1x1x64xf32, #tpu.memory_space<hbm>> -> memref<1x64xf32, #tpu.memory_space<hbm>>
          tpu.enqueue_dma source(%dma_start3A_168 : memref<1x64xf32, #tpu.memory_space<hbm>>) target(%dma_start3A_165 : memref<1x64xf32, #tpu.memory_space<vmem>>) target_semaphore(%arg9 : memref<!tpu.dma_semaphore, #tpu.memory_space<semaphore_mem>>)
          %scan3A_169 = arith.constant 4 : i32
          %scan3A_170 = arith.addi %scan3A_101, %scan3A_169 : i32
          %get3A_171 = arith.index_cast %scan3A_170 : i32 to index
          %get3A_172 = memref.load %arg5[%get3A_171] : memref<256xi32, #tpu.memory_space<smem>>
          %shift_right_arithmetic3A_173 = arith.constant 6 : i32
          %shift_right_arithmetic3A_174 = arith.shrsi %get3A_172, %shift_right_arithmetic3A_173 : i32
          %and3A_175 = arith.constant 63 : i32
          %and3A_176 = arith.andi %get3A_172, %and3A_175 : i32
          %dma_start3A_177 = arith.constant 0 : i32
          %dma_start3A_178 = tpu.memref_slice %arg6[%scan3A_170, %dma_start3A_177] : memref<256x64xf32, #tpu.memory_space<vmem>> -> memref<1x64xf32, #tpu.memory_space<vmem>>
          %dma_start3A_179 = arith.constant 0 : i32
          %dma_start3A_180 = tpu.memref_slice %arg2[%shift_right_arithmetic3A_174, %and3A_176, %dma_start3A_179] : memref<15625x64x64xf32, #tpu.memory_space<hbm>> -> memref<1x1x64xf32, #tpu.memory_space<hbm>>
          %dma_start3A_181 = tpu.memref_squeeze %dma_start3A_180 : memref<1x1x64xf32, #tpu.memory_space<hbm>> -> memref<1x64xf32, #tpu.memory_space<hbm>>
          %dma_start3A_182 = arith.constant 0 : i32
          %dma_start3A_183 = tpu.memref_slice %arg6[%scan3A_170, %dma_start3A_182] : memref<256x64xf32, #tpu.memory_space<vmem>> -> memref<1x64xf32, #tpu.memory_space<vmem>>
          %dma_start3A_184 = arith.constant 0 : i32
          %dma_start3A_185 = tpu.memref_slice %arg2[%shift_right_arithmetic3A_174, %and3A_176, %dma_start3A_184] : memref<15625x64x64xf32, #tpu.memory_space<hbm>> -> memref<1x1x64xf32, #tpu.memory_space<hbm>>
          %dma_start3A_186 = tpu.memref_squeeze %dma_start3A_185 : memref<1x1x64xf32, #tpu.memory_space<hbm>> -> memref<1x64xf32, #tpu.memory_space<hbm>>
          tpu.enqueue_dma source(%dma_start3A_186 : memref<1x64xf32, #tpu.memory_space<hbm>>) target(%dma_start3A_183 : memref<1x64xf32, #tpu.memory_space<vmem>>) target_semaphore(%arg9 : memref<!tpu.dma_semaphore, #tpu.memory_space<semaphore_mem>>)
          %scan3A_187 = arith.constant 5 : i32
          %scan3A_188 = arith.addi %scan3A_101, %scan3A_187 : i32
          %get3A_189 = arith.index_cast %scan3A_188 : i32 to index
          %get3A_190 = memref.load %arg5[%get3A_189] : memref<256xi32, #tpu.memory_space<smem>>
          %shift_right_arithmetic3A_191 = arith.constant 6 : i32
          %shift_right_arithmetic3A_192 = arith.shrsi %get3A_190, %shift_right_arithmetic3A_191 : i32
          %and3A_193 = arith.constant 63 : i32
          %and3A_194 = arith.andi %get3A_190, %and3A_193 : i32
          %dma_start3A_195 = arith.constant 0 : i32
          %dma_start3A_196 = tpu.memref_slice %arg6[%scan3A_188, %dma_start3A_195] : memref<256x64xf32, #tpu.memory_space<vmem>> -> memref<1x64xf32, #tpu.memory_space<vmem>>
          %dma_start3A_197 = arith.constant 0 : i32
          %dma_start3A_198 = tpu.memref_slice %arg2[%shift_right_arithmetic3A_192, %and3A_194, %dma_start3A_197] : memref<15625x64x64xf32, #tpu.memory_space<hbm>> -> memref<1x1x64xf32, #tpu.memory_space<hbm>>
          %dma_start3A_199 = tpu.memref_squeeze %dma_start3A_198 : memref<1x1x64xf32, #tpu.memory_space<hbm>> -> memref<1x64xf32, #tpu.memory_space<hbm>>
          %dma_start3A_200 = arith.constant 0 : i32
          %dma_start3A_201 = tpu.memref_slice %arg6[%scan3A_188, %dma_start3A_200] : memref<256x64xf32, #tpu.memory_space<vmem>> -> memref<1x64xf32, #tpu.memory_space<vmem>>
          %dma_start3A_202 = arith.constant 0 : i32
          %dma_start3A_203 = tpu.memref_slice %arg2[%shift_right_arithmetic3A_192, %and3A_194, %dma_start3A_202] : memref<15625x64x64xf32, #tpu.memory_space<hbm>> -> memref<1x1x64xf32, #tpu.memory_space<hbm>>
          %dma_start3A_204 = tpu.memref_squeeze %dma_start3A_203 : memref<1x1x64xf32, #tpu.memory_space<hbm>> -> memref<1x64xf32, #tpu.memory_space<hbm>>
          tpu.enqueue_dma source(%dma_start3A_204 : memref<1x64xf32, #tpu.memory_space<hbm>>) target(%dma_start3A_201 : memref<1x64xf32, #tpu.memory_space<vmem>>) target_semaphore(%arg9 : memref<!tpu.dma_semaphore, #tpu.memory_space<semaphore_mem>>)
          %scan3A_205 = arith.constant 6 : i32
          %scan3A_206 = arith.addi %scan3A_101, %scan3A_205 : i32
          %get3A_207 = arith.index_cast %scan3A_206 : i32 to index
          %get3A_208 = memref.load %arg5[%get3A_207] : memref<256xi32, #tpu.memory_space<smem>>
          %shift_right_arithmetic3A_209 = arith.constant 6 : i32
          %shift_right_arithmetic3A_210 = arith.shrsi %get3A_208, %shift_right_arithmetic3A_209 : i32
          %and3A_211 = arith.constant 63 : i32
          %and3A_212 = arith.andi %get3A_208, %and3A_211 : i32
          %dma_start3A_213 = arith.constant 0 : i32
          %dma_start3A_214 = tpu.memref_slice %arg6[%scan3A_206, %dma_start3A_213] : memref<256x64xf32, #tpu.memory_space<vmem>> -> memref<1x64xf32, #tpu.memory_space<vmem>>
          %dma_start3A_215 = arith.constant 0 : i32
          %dma_start3A_216 = tpu.memref_slice %arg2[%shift_right_arithmetic3A_210, %and3A_212, %dma_start3A_215] : memref<15625x64x64xf32, #tpu.memory_space<hbm>> -> memref<1x1x64xf32, #tpu.memory_space<hbm>>
          %dma_start3A_217 = tpu.memref_squeeze %dma_start3A_216 : memref<1x1x64xf32, #tpu.memory_space<hbm>> -> memref<1x64xf32, #tpu.memory_space<hbm>>
          %dma_start3A_218 = arith.constant 0 : i32
          %dma_start3A_219 = tpu.memref_slice %arg6[%scan3A_206, %dma_start3A_218] : memref<256x64xf32, #tpu.memory_space<vmem>> -> memref<1x64xf32, #tpu.memory_space<vmem>>
          %dma_start3A_220 = arith.constant 0 : i32
          %dma_start3A_221 = tpu.memref_slice %arg2[%shift_right_arithmetic3A_210, %and3A_212, %dma_start3A_220] : memref<15625x64x64xf32, #tpu.memory_space<hbm>> -> memref<1x1x64xf32, #tpu.memory_space<hbm>>
          %dma_start3A_222 = tpu.memref_squeeze %dma_start3A_221 : memref<1x1x64xf32, #tpu.memory_space<hbm>> -> memref<1x64xf32, #tpu.memory_space<hbm>>
          tpu.enqueue_dma source(%dma_start3A_222 : memref<1x64xf32, #tpu.memory_space<hbm>>) target(%dma_start3A_219 : memref<1x64xf32, #tpu.memory_space<vmem>>) target_semaphore(%arg9 : memref<!tpu.dma_semaphore, #tpu.memory_space<semaphore_mem>>)
          %scan3A_223 = arith.constant 7 : i32
          %scan3A_224 = arith.addi %scan3A_101, %scan3A_223 : i32
          %get3A_225 = arith.index_cast %scan3A_224 : i32 to index
          %get3A_226 = memref.load %arg5[%get3A_225] : memref<256xi32, #tpu.memory_space<smem>>
          %shift_right_arithmetic3A_227 = arith.constant 6 : i32
          %shift_right_arithmetic3A_228 = arith.shrsi %get3A_226, %shift_right_arithmetic3A_227 : i32
          %and3A_229 = arith.constant 63 : i32
          %and3A_230 = arith.andi %get3A_226, %and3A_229 : i32
          %dma_start3A_231 = arith.constant 0 : i32
          %dma_start3A_232 = tpu.memref_slice %arg6[%scan3A_224, %dma_start3A_231] : memref<256x64xf32, #tpu.memory_space<vmem>> -> memref<1x64xf32, #tpu.memory_space<vmem>>
          %dma_start3A_233 = arith.constant 0 : i32
          %dma_start3A_234 = tpu.memref_slice %arg2[%shift_right_arithmetic3A_228, %and3A_230, %dma_start3A_233] : memref<15625x64x64xf32, #tpu.memory_space<hbm>> -> memref<1x1x64xf32, #tpu.memory_space<hbm>>
          %dma_start3A_235 = tpu.memref_squeeze %dma_start3A_234 : memref<1x1x64xf32, #tpu.memory_space<hbm>> -> memref<1x64xf32, #tpu.memory_space<hbm>>
          %dma_start3A_236 = arith.constant 0 : i32
          %dma_start3A_237 = tpu.memref_slice %arg6[%scan3A_224, %dma_start3A_236] : memref<256x64xf32, #tpu.memory_space<vmem>> -> memref<1x64xf32, #tpu.memory_space<vmem>>
          %dma_start3A_238 = arith.constant 0 : i32
          %dma_start3A_239 = tpu.memref_slice %arg2[%shift_right_arithmetic3A_228, %and3A_230, %dma_start3A_238] : memref<15625x64x64xf32, #tpu.memory_space<hbm>> -> memref<1x1x64xf32, #tpu.memory_space<hbm>>
          %dma_start3A_240 = tpu.memref_squeeze %dma_start3A_239 : memref<1x1x64xf32, #tpu.memory_space<hbm>> -> memref<1x64xf32, #tpu.memory_space<hbm>>
          tpu.enqueue_dma source(%dma_start3A_240 : memref<1x64xf32, #tpu.memory_space<hbm>>) target(%dma_start3A_237 : memref<1x64xf32, #tpu.memory_space<vmem>>) target_semaphore(%arg9 : memref<!tpu.dma_semaphore, #tpu.memory_space<semaphore_mem>>)
        }
        %scan3A_100 = arith.constant 256 : i32
      } else {
      }
      %dma_wait3A_66 = arith.constant 0 : i32
      %dma_wait3A_67 = tpu.memref_slice %arg4[%mul3A_2, %dma_wait3A_66] : memref<204800x64xf32, #tpu.memory_space<hbm>> -> memref<256x64xf32, #tpu.memory_space<hbm>>
      %dma_wait3A_68 = arith.constant 0 : i32
      %dma_wait3A_69 = tpu.memref_slice %arg4[%mul3A_2, %dma_wait3A_68] : memref<204800x64xf32, #tpu.memory_space<hbm>> -> memref<256x64xf32, #tpu.memory_space<hbm>>
      tpu.wait_dma2 semaphore(%arg10 : memref<!tpu.dma_semaphore, #tpu.memory_space<semaphore_mem>>) src(%dma_wait3A_69 : memref<256x64xf32, #tpu.memory_space<hbm>>) dst(%arg7 : memref<256x64xf32, #tpu.memory_space<vmem>>)
      %scan3A_70 = arith.constant 0 : i32
      %scan3A_71 = arith.constant 0 : i32
      %scan3A_72 = arith.constant 256 : i32
      %scan3A_73 = arith.addi %scan3A_71, %scan3A_72 : i32
      %scan3A_74 = arith.constant 4 : i32
      scf.for %scan3A_87 = %scan3A_71 to %scan3A_73 step %scan3A_74  : i32 {
        %get3A = arith.index_cast %scan3A_87 : i32 to index
        %get3A_88 = arith.constant 0 : index
        %get3A_89 = tpu.vector_load %arg7[%get3A, %get3A_88] {strides = array<i32>} : memref<256x64xf32, #tpu.memory_space<vmem>>, vector<16xf32>,
        %get3A_90 = arith.index_cast %scan3A_87 : i32 to index
        %get3A_91 = arith.constant 0 : index
        %get3A_92 = tpu.vector_load %arg7[%get3A_90, %get3A_91] {strides = array<i32>} : memref<256x64xf32, #tpu.memory_space<vmem>>, vector<16xf32>,
        %add3A_93 = arith.addf %get3A_89, %get3A_92 : vector<16xf32>
        %swap3A = arith.index_cast %scan3A_87 : i32 to index
        %swap3A_94 = arith.constant 0 : index
        %swap3A_95 = tpu.vector_load %arg7[%swap3A, %swap3A_94] {strides = array<i32>} : memref<256x64xf32, #tpu.memory_space<vmem>>, vector<16xf32>,
        tpu.vector_store %arg7[%swap3A, %swap3A_94], %add3A_93 {strides = array<i32>} : memref<256x64xf32, #tpu.memory_space<vmem>>, vector<16xf32>,
        %get3A_96 = arith.index_cast %scan3A_87 : i32 to index
        %get3A_97 = arith.constant 16 : index
        %get3A_98 = tpu.vector_load %arg7[%get3A_96, %get3A_97] {strides = array<i32>} : memref<256x64xf32, #tpu.memory_space<vmem>>, vector<16xf32>,
        %get3A_99 = arith.index_cast %scan3A_87 : i32 to index
        %get3A_100 = arith.constant 16 : index
        %get3A_101 = tpu.vector_load %arg7[%get3A_99, %get3A_100] {strides = array<i32>} : memref<256x64xf32, #tpu.memory_space<vmem>>, vector<16xf32>,
        %add3A_102 = arith.addf %get3A_98, %get3A_101 : vector<16xf32>
        %swap3A_103 = arith.index_cast %scan3A_87 : i32 to index
        %swap3A_104 = arith.constant 16 : index
        %swap3A_105 = tpu.vector_load %arg7[%swap3A_103, %swap3A_104] {strides = array<i32>} : memref<256x64xf32, #tpu.memory_space<vmem>>, vector<16xf32>,
        tpu.vector_store %arg7[%swap3A_103, %swap3A_104], %add3A_102 {strides = array<i32>} : memref<256x64xf32, #tpu.memory_space<vmem>>, vector<16xf32>,
        %get3A_106 = arith.index_cast %scan3A_87 : i32 to index
        %get3A_107 = arith.constant 32 : index
        %get3A_108 = tpu.vector_load %arg7[%get3A_106, %get3A_107] {strides = array<i32>} : memref<256x64xf32, #tpu.memory_space<vmem>>, vector<16xf32>,
        %get3A_109 = arith.index_cast %scan3A_87 : i32 to index
        %get3A_110 = arith.constant 32 : index
        %get3A_111 = tpu.vector_load %arg7[%get3A_109, %get3A_110] {strides = array<i32>} : memref<256x64xf32, #tpu.memory_space<vmem>>, vector<16xf32>,
        %add3A_112 = arith.addf %get3A_108, %get3A_111 : vector<16xf32>
        %swap3A_113 = arith.index_cast %scan3A_87 : i32 to index
        %swap3A_114 = arith.constant 32 : index
        %swap3A_115 = tpu.vector_load %arg7[%swap3A_113, %swap3A_114] {strides = array<i32>} : memref<256x64xf32, #tpu.memory_space<vmem>>, vector<16xf32>,
        tpu.vector_store %arg7[%swap3A_113, %swap3A_114], %add3A_112 {strides = array<i32>} : memref<256x64xf32, #tpu.memory_space<vmem>>, vector<16xf32>,
        %get3A_116 = arith.index_cast %scan3A_87 : i32 to index
        %get3A_117 = arith.constant 48 : index
        %get3A_118 = tpu.vector_load %arg7[%get3A_116, %get3A_117] {strides = array<i32>} : memref<256x64xf32, #tpu.memory_space<vmem>>, vector<16xf32>,
        %get3A_119 = arith.index_cast %scan3A_87 : i32 to index
        %get3A_120 = arith.constant 48 : index
        %get3A_121 = tpu.vector_load %arg7[%get3A_119, %get3A_120] {strides = array<i32>} : memref<256x64xf32, #tpu.memory_space<vmem>>, vector<16xf32>,
        %add3A_122 = arith.addf %get3A_118, %get3A_121 : vector<16xf32>
        %swap3A_123 = arith.index_cast %scan3A_87 : i32 to index
        %swap3A_124 = arith.constant 48 : index
        %swap3A_125 = tpu.vector_load %arg7[%swap3A_123, %swap3A_124] {strides = array<i32>} : memref<256x64xf32, #tpu.memory_space<vmem>>, vector<16xf32>,
        tpu.vector_store %arg7[%swap3A_123, %swap3A_124], %add3A_122 {strides = array<i32>} : memref<256x64xf32, #tpu.memory_space<vmem>>, vector<16xf32>,
        %scan3A_126 = arith.constant 1 : i32
        %scan3A_127 = arith.addi %scan3A_87, %scan3A_126 : i32
        %get3A_128 = arith.index_cast %scan3A_127 : i32 to index
        %get3A_129 = arith.constant 0 : index
        %get3A_130 = tpu.vector_load %arg7[%get3A_128, %get3A_129] {strides = array<i32>} : memref<256x64xf32, #tpu.memory_space<vmem>>, vector<16xf32>,
        %get3A_131 = arith.index_cast %scan3A_127 : i32 to index
        %get3A_132 = arith.constant 0 : index
        %get3A_133 = tpu.vector_load %arg7[%get3A_131, %get3A_132] {strides = array<i32>} : memref<256x64xf32, #tpu.memory_space<vmem>>, vector<16xf32>,
        %add3A_134 = arith.addf %get3A_130, %get3A_133 : vector<16xf32>
        %swap3A_135 = arith.index_cast %scan3A_127 : i32 to index
        %swap3A_136 = arith.constant 0 : index
        %swap3A_137 = tpu.vector_load %arg7[%swap3A_135, %swap3A_136] {strides = array<i32>} : memref<256x64xf32, #tpu.memory_space<vmem>>, vector<16xf32>,
        tpu.vector_store %arg7[%swap3A_135, %swap3A_136], %add3A_134 {strides = array<i32>} : memref<256x64xf32, #tpu.memory_space<vmem>>, vector<16xf32>,
        %get3A_138 = arith.index_cast %scan3A_127 : i32 to index
        %get3A_139 = arith.constant 16 : index
        %get3A_140 = tpu.vector_load %arg7[%get3A_138, %get3A_139] {strides = array<i32>} : memref<256x64xf32, #tpu.memory_space<vmem>>, vector<16xf32>,
        %get3A_141 = arith.index_cast %scan3A_127 : i32 to index
        %get3A_142 = arith.constant 16 : index
        %get3A_143 = tpu.vector_load %arg7[%get3A_141, %get3A_142] {strides = array<i32>} : memref<256x64xf32, #tpu.memory_space<vmem>>, vector<16xf32>,
        %add3A_144 = arith.addf %get3A_140, %get3A_143 : vector<16xf32>
        %swap3A_145 = arith.index_cast %scan3A_127 : i32 to index
        %swap3A_146 = arith.constant 16 : index
        %swap3A_147 = tpu.vector_load %arg7[%swap3A_145, %swap3A_146] {strides = array<i32>} : memref<256x64xf32, #tpu.memory_space<vmem>>, vector<16xf32>,
        tpu.vector_store %arg7[%swap3A_145, %swap3A_146], %add3A_144 {strides = array<i32>} : memref<256x64xf32, #tpu.memory_space<vmem>>, vector<16xf32>,
        %get3A_148 = arith.index_cast %scan3A_127 : i32 to index
        %get3A_149 = arith.constant 32 : index
        %get3A_150 = tpu.vector_load %arg7[%get3A_148, %get3A_149] {strides = array<i32>} : memref<256x64xf32, #tpu.memory_space<vmem>>, vector<16xf32>,
        %get3A_151 = arith.index_cast %scan3A_127 : i32 to index
        %get3A_152 = arith.constant 32 : index
        %get3A_153 = tpu.vector_load %arg7[%get3A_151, %get3A_152] {strides = array<i32>} : memref<256x64xf32, #tpu.memory_space<vmem>>, vector<16xf32>,
        %add3A_154 = arith.addf %get3A_150, %get3A_153 : vector<16xf32>
        %swap3A_155 = arith.index_cast %scan3A_127 : i32 to index
        %swap3A_156 = arith.constant 32 : index
        %swap3A_157 = tpu.vector_load %arg7[%swap3A_155, %swap3A_156] {strides = array<i32>} : memref<256x64xf32, #tpu.memory_space<vmem>>, vector<16xf32>,
        tpu.vector_store %arg7[%swap3A_155, %swap3A_156], %add3A_154 {strides = array<i32>} : memref<256x64xf32, #tpu.memory_space<vmem>>, vector<16xf32>,
        %get3A_158 = arith.index_cast %scan3A_127 : i32 to index
        %get3A_159 = arith.constant 48 : index
        %get3A_160 = tpu.vector_load %arg7[%get3A_158, %get3A_159] {strides = array<i32>} : memref<256x64xf32, #tpu.memory_space<vmem>>, vector<16xf32>,
        %get3A_161 = arith.index_cast %scan3A_127 : i32 to index
        %get3A_162 = arith.constant 48 : index
        %get3A_163 = tpu.vector_load %arg7[%get3A_161, %get3A_162] {strides = array<i32>} : memref<256x64xf32, #tpu.memory_space<vmem>>, vector<16xf32>,
        %add3A_164 = arith.addf %get3A_160, %get3A_163 : vector<16xf32>
        %swap3A_165 = arith.index_cast %scan3A_127 : i32 to index
        %swap3A_166 = arith.constant 48 : index
        %swap3A_167 = tpu.vector_load %arg7[%swap3A_165, %swap3A_166] {strides = array<i32>} : memref<256x64xf32, #tpu.memory_space<vmem>>, vector<16xf32>,
        tpu.vector_store %arg7[%swap3A_165, %swap3A_166], %add3A_164 {strides = array<i32>} : memref<256x64xf32, #tpu.memory_space<vmem>>, vector<16xf32>,
        %scan3A_168 = arith.constant 2 : i32
        %scan3A_169 = arith.addi %scan3A_87, %scan3A_168 : i32
        %get3A_170 = arith.index_cast %scan3A_169 : i32 to index
        %get3A_171 = arith.constant 0 : index
        %get3A_172 = tpu.vector_load %arg7[%get3A_170, %get3A_171] {strides = array<i32>} : memref<256x64xf32, #tpu.memory_space<vmem>>, vector<16xf32>,
        %get3A_173 = arith.index_cast %scan3A_169 : i32 to index
        %get3A_174 = arith.constant 0 : index
        %get3A_175 = tpu.vector_load %arg7[%get3A_173, %get3A_174] {strides = array<i32>} : memref<256x64xf32, #tpu.memory_space<vmem>>, vector<16xf32>,
        %add3A_176 = arith.addf %get3A_172, %get3A_175 : vector<16xf32>
        %swap3A_177 = arith.index_cast %scan3A_169 : i32 to index
        %swap3A_178 = arith.constant 0 : index
        %swap3A_179 = tpu.vector_load %arg7[%swap3A_177, %swap3A_178] {strides = array<i32>} : memref<256x64xf32, #tpu.memory_space<vmem>>, vector<16xf32>,
        tpu.vector_store %arg7[%swap3A_177, %swap3A_178], %add3A_176 {strides = array<i32>} : memref<256x64xf32, #tpu.memory_space<vmem>>, vector<16xf32>,
        %get3A_180 = arith.index_cast %scan3A_169 : i32 to index
        %get3A_181 = arith.constant 16 : index
        %get3A_182 = tpu.vector_load %arg7[%get3A_180, %get3A_181] {strides = array<i32>} : memref<256x64xf32, #tpu.memory_space<vmem>>, vector<16xf32>,
        %get3A_183 = arith.index_cast %scan3A_169 : i32 to index
        %get3A_184 = arith.constant 16 : index
        %get3A_185 = tpu.vector_load %arg7[%get3A_183, %get3A_184] {strides = array<i32>} : memref<256x64xf32, #tpu.memory_space<vmem>>, vector<16xf32>,
        %add3A_186 = arith.addf %get3A_182, %get3A_185 : vector<16xf32>
        %swap3A_187 = arith.index_cast %scan3A_169 : i32 to index
        %swap3A_188 = arith.constant 16 : index
        %swap3A_189 = tpu.vector_load %arg7[%swap3A_187, %swap3A_188] {strides = array<i32>} : memref<256x64xf32, #tpu.memory_space<vmem>>, vector<16xf32>,
        tpu.vector_store %arg7[%swap3A_187, %swap3A_188], %add3A_186 {strides = array<i32>} : memref<256x64xf32, #tpu.memory_space<vmem>>, vector<16xf32>,
        %get3A_190 = arith.index_cast %scan3A_169 : i32 to index
        %get3A_191 = arith.constant 32 : index
        %get3A_192 = tpu.vector_load %arg7[%get3A_190, %get3A_191] {strides = array<i32>} : memref<256x64xf32, #tpu.memory_space<vmem>>, vector<16xf32>,
        %get3A_193 = arith.index_cast %scan3A_169 : i32 to index
        %get3A_194 = arith.constant 32 : index
        %get3A_195 = tpu.vector_load %arg7[%get3A_193, %get3A_194] {strides = array<i32>} : memref<256x64xf32, #tpu.memory_space<vmem>>, vector<16xf32>,
        %add3A_196 = arith.addf %get3A_192, %get3A_195 : vector<16xf32>
        %swap3A_197 = arith.index_cast %scan3A_169 : i32 to index
        %swap3A_198 = arith.constant 32 : index
        %swap3A_199 = tpu.vector_load %arg7[%swap3A_197, %swap3A_198] {strides = array<i32>} : memref<256x64xf32, #tpu.memory_space<vmem>>, vector<16xf32>,
        tpu.vector_store %arg7[%swap3A_197, %swap3A_198], %add3A_196 {strides = array<i32>} : memref<256x64xf32, #tpu.memory_space<vmem>>, vector<16xf32>,
        %get3A_200 = arith.index_cast %scan3A_169 : i32 to index
        %get3A_201 = arith.constant 48 : index
        %get3A_202 = tpu.vector_load %arg7[%get3A_200, %get3A_201] {strides = array<i32>} : memref<256x64xf32, #tpu.memory_space<vmem>>, vector<16xf32>,
        %get3A_203 = arith.index_cast %scan3A_169 : i32 to index
        %get3A_204 = arith.constant 48 : index
        %get3A_205 = tpu.vector_load %arg7[%get3A_203, %get3A_204] {strides = array<i32>} : memref<256x64xf32, #tpu.memory_space<vmem>>, vector<16xf32>,
        %add3A_206 = arith.addf %get3A_202, %get3A_205 : vector<16xf32>
        %swap3A_207 = arith.index_cast %scan3A_169 : i32 to index
        %swap3A_208 = arith.constant 48 : index
        %swap3A_209 = tpu.vector_load %arg7[%swap3A_207, %swap3A_208] {strides = array<i32>} : memref<256x64xf32, #tpu.memory_space<vmem>>, vector<16xf32>,
        tpu.vector_store %arg7[%swap3A_207, %swap3A_208], %add3A_206 {strides = array<i32>} : memref<256x64xf32, #tpu.memory_space<vmem>>, vector<16xf32>,
        %scan3A_210 = arith.constant 3 : i32
        %scan3A_211 = arith.addi %scan3A_87, %scan3A_210 : i32
        %get3A_212 = arith.index_cast %scan3A_211 : i32 to index
        %get3A_213 = arith.constant 0 : index
        %get3A_214 = tpu.vector_load %arg7[%get3A_212, %get3A_213] {strides = array<i32>} : memref<256x64xf32, #tpu.memory_space<vmem>>, vector<16xf32>,
        %get3A_215 = arith.index_cast %scan3A_211 : i32 to index
        %get3A_216 = arith.constant 0 : index
        %get3A_217 = tpu.vector_load %arg7[%get3A_215, %get3A_216] {strides = array<i32>} : memref<256x64xf32, #tpu.memory_space<vmem>>, vector<16xf32>,
        %add3A_218 = arith.addf %get3A_214, %get3A_217 : vector<16xf32>
        %swap3A_219 = arith.index_cast %scan3A_211 : i32 to index
        %swap3A_220 = arith.constant 0 : index
        %swap3A_221 = tpu.vector_load %arg7[%swap3A_219, %swap3A_220] {strides = array<i32>} : memref<256x64xf32, #tpu.memory_space<vmem>>, vector<16xf32>,
        tpu.vector_store %arg7[%swap3A_219, %swap3A_220], %add3A_218 {strides = array<i32>} : memref<256x64xf32, #tpu.memory_space<vmem>>, vector<16xf32>,
        %get3A_222 = arith.index_cast %scan3A_211 : i32 to index
        %get3A_223 = arith.constant 16 : index
        %get3A_224 = tpu.vector_load %arg7[%get3A_222, %get3A_223] {strides = array<i32>} : memref<256x64xf32, #tpu.memory_space<vmem>>, vector<16xf32>,
        %get3A_225 = arith.index_cast %scan3A_211 : i32 to index
        %get3A_226 = arith.constant 16 : index
        %get3A_227 = tpu.vector_load %arg7[%get3A_225, %get3A_226] {strides = array<i32>} : memref<256x64xf32, #tpu.memory_space<vmem>>, vector<16xf32>,
        %add3A_228 = arith.addf %get3A_224, %get3A_227 : vector<16xf32>
        %swap3A_229 = arith.index_cast %scan3A_211 : i32 to index
        %swap3A_230 = arith.constant 16 : index
        %swap3A_231 = tpu.vector_load %arg7[%swap3A_229, %swap3A_230] {strides = array<i32>} : memref<256x64xf32, #tpu.memory_space<vmem>>, vector<16xf32>,
        tpu.vector_store %arg7[%swap3A_229, %swap3A_230], %add3A_228 {strides = array<i32>} : memref<256x64xf32, #tpu.memory_space<vmem>>, vector<16xf32>,
        %get3A_232 = arith.index_cast %scan3A_211 : i32 to index
        %get3A_233 = arith.constant 32 : index
        %get3A_234 = tpu.vector_load %arg7[%get3A_232, %get3A_233] {strides = array<i32>} : memref<256x64xf32, #tpu.memory_space<vmem>>, vector<16xf32>,
        %get3A_235 = arith.index_cast %scan3A_211 : i32 to index
        %get3A_236 = arith.constant 32 : index
        %get3A_237 = tpu.vector_load %arg7[%get3A_235, %get3A_236] {strides = array<i32>} : memref<256x64xf32, #tpu.memory_space<vmem>>, vector<16xf32>,
        %add3A_238 = arith.addf %get3A_234, %get3A_237 : vector<16xf32>
        %swap3A_239 = arith.index_cast %scan3A_211 : i32 to index
        %swap3A_240 = arith.constant 32 : index
        %swap3A_241 = tpu.vector_load %arg7[%swap3A_239, %swap3A_240] {strides = array<i32>} : memref<256x64xf32, #tpu.memory_space<vmem>>, vector<16xf32>,
        tpu.vector_store %arg7[%swap3A_239, %swap3A_240], %add3A_238 {strides = array<i32>} : memref<256x64xf32, #tpu.memory_space<vmem>>, vector<16xf32>,
        %get3A_242 = arith.index_cast %scan3A_211 : i32 to index
        %get3A_243 = arith.constant 48 : index
        %get3A_244 = tpu.vector_load %arg7[%get3A_242, %get3A_243] {strides = array<i32>} : memref<256x64xf32, #tpu.memory_space<vmem>>, vector<16xf32>,
        %get3A_245 = arith.index_cast %scan3A_211 : i32 to index
        %get3A_246 = arith.constant 48 : index
        %get3A_247 = tpu.vector_load %arg7[%get3A_245, %get3A_246] {strides = array<i32>} : memref<256x64xf32, #tpu.memory_space<vmem>>, vector<16xf32>,
        %add3A_248 = arith.addf %get3A_244, %get3A_247 : vector<16xf32>
        %swap3A_249 = arith.index_cast %scan3A_211 : i32 to index
        %swap3A_250 = arith.constant 48 : index
        %swap3A_251 = tpu.vector_load %arg7[%swap3A_249, %swap3A_250] {strides = array<i32>} : memref<256x64xf32, #tpu.memory_space<vmem>>, vector<16xf32>,
        tpu.vector_store %arg7[%swap3A_249, %swap3A_250], %add3A_248 {strides = array<i32>} : memref<256x64xf32, #tpu.memory_space<vmem>>, vector<16xf32>,
      }
      %scan3A_75 = arith.constant 256 : i32
      %mul3A_76 = arith.constant 256 : i32
      %mul3A_77 = arith.muli %add3A_36, %mul3A_76 : i32
      %add3A_78 = arith.addi %mul3A_2, %mul3A_77 : i32
      %dma_start3A_79 = arith.constant 0 : i32
      %dma_start3A_80 = tpu.memref_slice %arg4[%add3A_78, %dma_start3A_79] : memref<204800x64xf32, #tpu.memory_space<hbm>> -> memref<256x64xf32, #tpu.memory_space<hbm>>
      %dma_start3A_81 = arith.constant 0 : i32
      %dma_start3A_82 = tpu.memref_slice %arg4[%add3A_78, %dma_start3A_81] : memref<204800x64xf32, #tpu.memory_space<hbm>> -> memref<256x64xf32, #tpu.memory_space<hbm>>
      tpu.enqueue_dma source(%arg7 : memref<256x64xf32, #tpu.memory_space<vmem>>) target(%dma_start3A_82 : memref<256x64xf32, #tpu.memory_space<hbm>>) target_semaphore(%arg12 : memref<!tpu.dma_semaphore, #tpu.memory_space<semaphore_mem>>)
      %dma_wait3A_83 = arith.constant 0 : i32
      %dma_wait3A_84 = tpu.memref_slice %arg4[%mul3A_2, %dma_wait3A_83] : memref<204800x64xf32, #tpu.memory_space<hbm>> -> memref<256x64xf32, #tpu.memory_space<hbm>>
      %dma_wait3A_85 = arith.constant 0 : i32
      %dma_wait3A_86 = tpu.memref_slice %arg4[%mul3A_2, %dma_wait3A_85] : memref<204800x64xf32, #tpu.memory_space<hbm>> -> memref<256x64xf32, #tpu.memory_space<hbm>>
      tpu.wait_dma2 semaphore(%arg12 : memref<!tpu.dma_semaphore, #tpu.memory_space<semaphore_mem>>) src(%arg7 : memref<256x64xf32, #tpu.memory_space<vmem>>) dst(%dma_wait3A_86 : memref<256x64xf32, #tpu.memory_space<hbm>>)
    }
    %scan3A_13 = arith.constant 12 : i32
    %dma_wait3A = arith.constant 0 : i32
    %dma_wait3A_14 = tpu.memref_slice %arg4[%mul3A_2, %dma_wait3A] : memref<204800x64xf32, #tpu.memory_space<hbm>> -> memref<256x64xf32, #tpu.memory_space<hbm>>
    %dma_wait3A_15 = arith.constant 0 : i32
    %dma_wait3A_16 = tpu.memref_slice %arg4[%mul3A_2, %dma_wait3A_15] : memref<204800x64xf32, #tpu.memory_space<hbm>> -> memref<256x64xf32, #tpu.memory_space<hbm>>
    tpu.wait_dma2 semaphore(%arg9 : memref<!tpu.dma_semaphore, #tpu.memory_space<semaphore_mem>>) src(%dma_wait3A_16 : memref<256x64xf32, #tpu.memory_space<hbm>>) dst(%arg6 : memref<256x64xf32, #tpu.memory_space<vmem>>)
    %scan3A_17 = arith.constant 0 : i32
    %scan3A_18 = arith.constant 0 : i32
    %scan3A_19 = arith.constant 256 : i32
    %scan3A_20 = arith.addi %scan3A_18, %scan3A_19 : i32
    %scan3A_21 = arith.constant 4 : i32
    scf.for %scan3A_32 = %scan3A_18 to %scan3A_20 step %scan3A_21  : i32 {
      %get3A = arith.index_cast %scan3A_32 : i32 to index
      %get3A_33 = arith.constant 0 : index
      %get3A_34 = tpu.vector_load %arg6[%get3A, %get3A_33] {strides = array<i32>} : memref<256x64xf32, #tpu.memory_space<vmem>>, vector<16xf32>,
      %get3A_35 = arith.index_cast %scan3A_32 : i32 to index
      %get3A_36 = arith.constant 0 : index
      %get3A_37 = tpu.vector_load %arg6[%get3A_35, %get3A_36] {strides = array<i32>} : memref<256x64xf32, #tpu.memory_space<vmem>>, vector<16xf32>,
      %add3A_38 = arith.addf %get3A_34, %get3A_37 : vector<16xf32>
      %swap3A = arith.index_cast %scan3A_32 : i32 to index
      %swap3A_39 = arith.constant 0 : index
      %swap3A_40 = tpu.vector_load %arg6[%swap3A, %swap3A_39] {strides = array<i32>} : memref<256x64xf32, #tpu.memory_space<vmem>>, vector<16xf32>,
      tpu.vector_store %arg6[%swap3A, %swap3A_39], %add3A_38 {strides = array<i32>} : memref<256x64xf32, #tpu.memory_space<vmem>>, vector<16xf32>,
      %get3A_41 = arith.index_cast %scan3A_32 : i32 to index
      %get3A_42 = arith.constant 16 : index
      %get3A_43 = tpu.vector_load %arg6[%get3A_41, %get3A_42] {strides = array<i32>} : memref<256x64xf32, #tpu.memory_space<vmem>>, vector<16xf32>,
      %get3A_44 = arith.index_cast %scan3A_32 : i32 to index
      %get3A_45 = arith.constant 16 : index
      %get3A_46 = tpu.vector_load %arg6[%get3A_44, %get3A_45] {strides = array<i32>} : memref<256x64xf32, #tpu.memory_space<vmem>>, vector<16xf32>,
      %add3A_47 = arith.addf %get3A_43, %get3A_46 : vector<16xf32>
      %swap3A_48 = arith.index_cast %scan3A_32 : i32 to index
      %swap3A_49 = arith.constant 16 : index
      %swap3A_50 = tpu.vector_load %arg6[%swap3A_48, %swap3A_49] {strides = array<i32>} : memref<256x64xf32, #tpu.memory_space<vmem>>, vector<16xf32>,
      tpu.vector_store %arg6[%swap3A_48, %swap3A_49], %add3A_47 {strides = array<i32>} : memref<256x64xf32, #tpu.memory_space<vmem>>, vector<16xf32>,
      %get3A_51 = arith.index_cast %scan3A_32 : i32 to index
      %get3A_52 = arith.constant 32 : index
      %get3A_53 = tpu.vector_load %arg6[%get3A_51, %get3A_52] {strides = array<i32>} : memref<256x64xf32, #tpu.memory_space<vmem>>, vector<16xf32>,
      %get3A_54 = arith.index_cast %scan3A_32 : i32 to index
      %get3A_55 = arith.constant 32 : index
      %get3A_56 = tpu.vector_load %arg6[%get3A_54, %get3A_55] {strides = array<i32>} : memref<256x64xf32, #tpu.memory_space<vmem>>, vector<16xf32>,
      %add3A_57 = arith.addf %get3A_53, %get3A_56 : vector<16xf32>
      %swap3A_58 = arith.index_cast %scan3A_32 : i32 to index
      %swap3A_59 = arith.constant 32 : index
      %swap3A_60 = tpu.vector_load %arg6[%swap3A_58, %swap3A_59] {strides = array<i32>} : memref<256x64xf32, #tpu.memory_space<vmem>>, vector<16xf32>,
      tpu.vector_store %arg6[%swap3A_58, %swap3A_59], %add3A_57 {strides = array<i32>} : memref<256x64xf32, #tpu.memory_space<vmem>>, vector<16xf32>,
      %get3A_61 = arith.index_cast %scan3A_32 : i32 to index
      %get3A_62 = arith.constant 48 : index
      %get3A_63 = tpu.vector_load %arg6[%get3A_61, %get3A_62] {strides = array<i32>} : memref<256x64xf32, #tpu.memory_space<vmem>>, vector<16xf32>,
      %get3A_64 = arith.index_cast %scan3A_32 : i32 to index
      %get3A_65 = arith.constant 48 : index
      %get3A_66 = tpu.vector_load %arg6[%get3A_64, %get3A_65] {strides = array<i32>} : memref<256x64xf32, #tpu.memory_space<vmem>>, vector<16xf32>,
      %add3A_67 = arith.addf %get3A_63, %get3A_66 : vector<16xf32>
      %swap3A_68 = arith.index_cast %scan3A_32 : i32 to index
      %swap3A_69 = arith.constant 48 : index
      %swap3A_70 = tpu.vector_load %arg6[%swap3A_68, %swap3A_69] {strides = array<i32>} : memref<256x64xf32, #tpu.memory_space<vmem>>, vector<16xf32>,
      tpu.vector_store %arg6[%swap3A_68, %swap3A_69], %add3A_67 {strides = array<i32>} : memref<256x64xf32, #tpu.memory_space<vmem>>, vector<16xf32>,
      %scan3A_71 = arith.constant 1 : i32
      %scan3A_72 = arith.addi %scan3A_32, %scan3A_71 : i32
      %get3A_73 = arith.index_cast %scan3A_72 : i32 to index
      %get3A_74 = arith.constant 0 : index
      %get3A_75 = tpu.vector_load %arg6[%get3A_73, %get3A_74] {strides = array<i32>} : memref<256x64xf32, #tpu.memory_space<vmem>>, vector<16xf32>,
      %get3A_76 = arith.index_cast %scan3A_72 : i32 to index
      %get3A_77 = arith.constant 0 : index
      %get3A_78 = tpu.vector_load %arg6[%get3A_76, %get3A_77] {strides = array<i32>} : memref<256x64xf32, #tpu.memory_space<vmem>>, vector<16xf32>,
      %add3A_79 = arith.addf %get3A_75, %get3A_78 : vector<16xf32>
      %swap3A_80 = arith.index_cast %scan3A_72 : i32 to index
      %swap3A_81 = arith.constant 0 : index
      %swap3A_82 = tpu.vector_load %arg6[%swap3A_80, %swap3A_81] {strides = array<i32>} : memref<256x64xf32, #tpu.memory_space<vmem>>, vector<16xf32>,
      tpu.vector_store %arg6[%swap3A_80, %swap3A_81], %add3A_79 {strides = array<i32>} : memref<256x64xf32, #tpu.memory_space<vmem>>, vector<16xf32>,
      %get3A_83 = arith.index_cast %scan3A_72 : i32 to index
      %get3A_84 = arith.constant 16 : index
      %get3A_85 = tpu.vector_load %arg6[%get3A_83, %get3A_84] {strides = array<i32>} : memref<256x64xf32, #tpu.memory_space<vmem>>, vector<16xf32>,
      %get3A_86 = arith.index_cast %scan3A_72 : i32 to index
      %get3A_87 = arith.constant 16 : index
      %get3A_88 = tpu.vector_load %arg6[%get3A_86, %get3A_87] {strides = array<i32>} : memref<256x64xf32, #tpu.memory_space<vmem>>, vector<16xf32>,
      %add3A_89 = arith.addf %get3A_85, %get3A_88 : vector<16xf32>
      %swap3A_90 = arith.index_cast %scan3A_72 : i32 to index
      %swap3A_91 = arith.constant 16 : index
      %swap3A_92 = tpu.vector_load %arg6[%swap3A_90, %swap3A_91] {strides = array<i32>} : memref<256x64xf32, #tpu.memory_space<vmem>>, vector<16xf32>,
      tpu.vector_store %arg6[%swap3A_90, %swap3A_91], %add3A_89 {strides = array<i32>} : memref<256x64xf32, #tpu.memory_space<vmem>>, vector<16xf32>,
      %get3A_93 = arith.index_cast %scan3A_72 : i32 to index
      %get3A_94 = arith.constant 32 : index
      %get3A_95 = tpu.vector_load %arg6[%get3A_93, %get3A_94] {strides = array<i32>} : memref<256x64xf32, #tpu.memory_space<vmem>>, vector<16xf32>,
      %get3A_96 = arith.index_cast %scan3A_72 : i32 to index
      %get3A_97 = arith.constant 32 : index
      %get3A_98 = tpu.vector_load %arg6[%get3A_96, %get3A_97] {strides = array<i32>} : memref<256x64xf32, #tpu.memory_space<vmem>>, vector<16xf32>,
      %add3A_99 = arith.addf %get3A_95, %get3A_98 : vector<16xf32>
      %swap3A_100 = arith.index_cast %scan3A_72 : i32 to index
      %swap3A_101 = arith.constant 32 : index
      %swap3A_102 = tpu.vector_load %arg6[%swap3A_100, %swap3A_101] {strides = array<i32>} : memref<256x64xf32, #tpu.memory_space<vmem>>, vector<16xf32>,
      tpu.vector_store %arg6[%swap3A_100, %swap3A_101], %add3A_99 {strides = array<i32>} : memref<256x64xf32, #tpu.memory_space<vmem>>, vector<16xf32>,
      %get3A_103 = arith.index_cast %scan3A_72 : i32 to index
      %get3A_104 = arith.constant 48 : index
      %get3A_105 = tpu.vector_load %arg6[%get3A_103, %get3A_104] {strides = array<i32>} : memref<256x64xf32, #tpu.memory_space<vmem>>, vector<16xf32>,
      %get3A_106 = arith.index_cast %scan3A_72 : i32 to index
      %get3A_107 = arith.constant 48 : index
      %get3A_108 = tpu.vector_load %arg6[%get3A_106, %get3A_107] {strides = array<i32>} : memref<256x64xf32, #tpu.memory_space<vmem>>, vector<16xf32>,
      %add3A_109 = arith.addf %get3A_105, %get3A_108 : vector<16xf32>
      %swap3A_110 = arith.index_cast %scan3A_72 : i32 to index
      %swap3A_111 = arith.constant 48 : index
      %swap3A_112 = tpu.vector_load %arg6[%swap3A_110, %swap3A_111] {strides = array<i32>} : memref<256x64xf32, #tpu.memory_space<vmem>>, vector<16xf32>,
      tpu.vector_store %arg6[%swap3A_110, %swap3A_111], %add3A_109 {strides = array<i32>} : memref<256x64xf32, #tpu.memory_space<vmem>>, vector<16xf32>,
      %scan3A_113 = arith.constant 2 : i32
      %scan3A_114 = arith.addi %scan3A_32, %scan3A_113 : i32
      %get3A_115 = arith.index_cast %scan3A_114 : i32 to index
      %get3A_116 = arith.constant 0 : index
      %get3A_117 = tpu.vector_load %arg6[%get3A_115, %get3A_116] {strides = array<i32>} : memref<256x64xf32, #tpu.memory_space<vmem>>, vector<16xf32>,
      %get3A_118 = arith.index_cast %scan3A_114 : i32 to index
      %get3A_119 = arith.constant 0 : index
      %get3A_120 = tpu.vector_load %arg6[%get3A_118, %get3A_119] {strides = array<i32>} : memref<256x64xf32, #tpu.memory_space<vmem>>, vector<16xf32>,
      %add3A_121 = arith.addf %get3A_117, %get3A_120 : vector<16xf32>
      %swap3A_122 = arith.index_cast %scan3A_114 : i32 to index
      %swap3A_123 = arith.constant 0 : index
      %swap3A_124 = tpu.vector_load %arg6[%swap3A_122, %swap3A_123] {strides = array<i32>} : memref<256x64xf32, #tpu.memory_space<vmem>>, vector<16xf32>,
      tpu.vector_store %arg6[%swap3A_122, %swap3A_123], %add3A_121 {strides = array<i32>} : memref<256x64xf32, #tpu.memory_space<vmem>>, vector<16xf32>,
      %get3A_125 = arith.index_cast %scan3A_114 : i32 to index
      %get3A_126 = arith.constant 16 : index
      %get3A_127 = tpu.vector_load %arg6[%get3A_125, %get3A_126] {strides = array<i32>} : memref<256x64xf32, #tpu.memory_space<vmem>>, vector<16xf32>,
      %get3A_128 = arith.index_cast %scan3A_114 : i32 to index
      %get3A_129 = arith.constant 16 : index
      %get3A_130 = tpu.vector_load %arg6[%get3A_128, %get3A_129] {strides = array<i32>} : memref<256x64xf32, #tpu.memory_space<vmem>>, vector<16xf32>,
      %add3A_131 = arith.addf %get3A_127, %get3A_130 : vector<16xf32>
      %swap3A_132 = arith.index_cast %scan3A_114 : i32 to index
      %swap3A_133 = arith.constant 16 : index
      %swap3A_134 = tpu.vector_load %arg6[%swap3A_132, %swap3A_133] {strides = array<i32>} : memref<256x64xf32, #tpu.memory_space<vmem>>, vector<16xf32>,
      tpu.vector_store %arg6[%swap3A_132, %swap3A_133], %add3A_131 {strides = array<i32>} : memref<256x64xf32, #tpu.memory_space<vmem>>, vector<16xf32>,
      %get3A_135 = arith.index_cast %scan3A_114 : i32 to index
      %get3A_136 = arith.constant 32 : index
      %get3A_137 = tpu.vector_load %arg6[%get3A_135, %get3A_136] {strides = array<i32>} : memref<256x64xf32, #tpu.memory_space<vmem>>, vector<16xf32>,
      %get3A_138 = arith.index_cast %scan3A_114 : i32 to index
      %get3A_139 = arith.constant 32 : index
      %get3A_140 = tpu.vector_load %arg6[%get3A_138, %get3A_139] {strides = array<i32>} : memref<256x64xf32, #tpu.memory_space<vmem>>, vector<16xf32>,
      %add3A_141 = arith.addf %get3A_137, %get3A_140 : vector<16xf32>
      %swap3A_142 = arith.index_cast %scan3A_114 : i32 to index
      %swap3A_143 = arith.constant 32 : index
      %swap3A_144 = tpu.vector_load %arg6[%swap3A_142, %swap3A_143] {strides = array<i32>} : memref<256x64xf32, #tpu.memory_space<vmem>>, vector<16xf32>,
      tpu.vector_store %arg6[%swap3A_142, %swap3A_143], %add3A_141 {strides = array<i32>} : memref<256x64xf32, #tpu.memory_space<vmem>>, vector<16xf32>,
      %get3A_145 = arith.index_cast %scan3A_114 : i32 to index
      %get3A_146 = arith.constant 48 : index
      %get3A_147 = tpu.vector_load %arg6[%get3A_145, %get3A_146] {strides = array<i32>} : memref<256x64xf32, #tpu.memory_space<vmem>>, vector<16xf32>,
      %get3A_148 = arith.index_cast %scan3A_114 : i32 to index
      %get3A_149 = arith.constant 48 : index
      %get3A_150 = tpu.vector_load %arg6[%get3A_148, %get3A_149] {strides = array<i32>} : memref<256x64xf32, #tpu.memory_space<vmem>>, vector<16xf32>,
      %add3A_151 = arith.addf %get3A_147, %get3A_150 : vector<16xf32>
      %swap3A_152 = arith.index_cast %scan3A_114 : i32 to index
      %swap3A_153 = arith.constant 48 : index
      %swap3A_154 = tpu.vector_load %arg6[%swap3A_152, %swap3A_153] {strides = array<i32>} : memref<256x64xf32, #tpu.memory_space<vmem>>, vector<16xf32>,
      tpu.vector_store %arg6[%swap3A_152, %swap3A_153], %add3A_151 {strides = array<i32>} : memref<256x64xf32, #tpu.memory_space<vmem>>, vector<16xf32>,
      %scan3A_155 = arith.constant 3 : i32
      %scan3A_156 = arith.addi %scan3A_32, %scan3A_155 : i32
      %get3A_157 = arith.index_cast %scan3A_156 : i32 to index
      %get3A_158 = arith.constant 0 : index
      %get3A_159 = tpu.vector_load %arg6[%get3A_157, %get3A_158] {strides = array<i32>} : memref<256x64xf32, #tpu.memory_space<vmem>>, vector<16xf32>,
      %get3A_160 = arith.index_cast %scan3A_156 : i32 to index
      %get3A_161 = arith.constant 0 : index
      %get3A_162 = tpu.vector_load %arg6[%get3A_160, %get3A_161] {strides = array<i32>} : memref<256x64xf32, #tpu.memory_space<vmem>>, vector<16xf32>,
      %add3A_163 = arith.addf %get3A_159, %get3A_162 : vector<16xf32>
      %swap3A_164 = arith.index_cast %scan3A_156 : i32 to index
      %swap3A_165 = arith.constant 0 : index
      %swap3A_166 = tpu.vector_load %arg6[%swap3A_164, %swap3A_165] {strides = array<i32>} : memref<256x64xf32, #tpu.memory_space<vmem>>, vector<16xf32>,
      tpu.vector_store %arg6[%swap3A_164, %swap3A_165], %add3A_163 {strides = array<i32>} : memref<256x64xf32, #tpu.memory_space<vmem>>, vector<16xf32>,
      %get3A_167 = arith.index_cast %scan3A_156 : i32 to index
      %get3A_168 = arith.constant 16 : index
      %get3A_169 = tpu.vector_load %arg6[%get3A_167, %get3A_168] {strides = array<i32>} : memref<256x64xf32, #tpu.memory_space<vmem>>, vector<16xf32>,
      %get3A_170 = arith.index_cast %scan3A_156 : i32 to index
      %get3A_171 = arith.constant 16 : index
      %get3A_172 = tpu.vector_load %arg6[%get3A_170, %get3A_171] {strides = array<i32>} : memref<256x64xf32, #tpu.memory_space<vmem>>, vector<16xf32>,
      %add3A_173 = arith.addf %get3A_169, %get3A_172 : vector<16xf32>
      %swap3A_174 = arith.index_cast %scan3A_156 : i32 to index
      %swap3A_175 = arith.constant 16 : index
      %swap3A_176 = tpu.vector_load %arg6[%swap3A_174, %swap3A_175] {strides = array<i32>} : memref<256x64xf32, #tpu.memory_space<vmem>>, vector<16xf32>,
      tpu.vector_store %arg6[%swap3A_174, %swap3A_175], %add3A_173 {strides = array<i32>} : memref<256x64xf32, #tpu.memory_space<vmem>>, vector<16xf32>,
      %get3A_177 = arith.index_cast %scan3A_156 : i32 to index
      %get3A_178 = arith.constant 32 : index
      %get3A_179 = tpu.vector_load %arg6[%get3A_177, %get3A_178] {strides = array<i32>} : memref<256x64xf32, #tpu.memory_space<vmem>>, vector<16xf32>,
      %get3A_180 = arith.index_cast %scan3A_156 : i32 to index
      %get3A_181 = arith.constant 32 : index
      %get3A_182 = tpu.vector_load %arg6[%get3A_180, %get3A_181] {strides = array<i32>} : memref<256x64xf32, #tpu.memory_space<vmem>>, vector<16xf32>,
      %add3A_183 = arith.addf %get3A_179, %get3A_182 : vector<16xf32>
      %swap3A_184 = arith.index_cast %scan3A_156 : i32 to index
      %swap3A_185 = arith.constant 32 : index
      %swap3A_186 = tpu.vector_load %arg6[%swap3A_184, %swap3A_185] {strides = array<i32>} : memref<256x64xf32, #tpu.memory_space<vmem>>, vector<16xf32>,
      tpu.vector_store %arg6[%swap3A_184, %swap3A_185], %add3A_183 {strides = array<i32>} : memref<256x64xf32, #tpu.memory_space<vmem>>, vector<16xf32>,
      %get3A_187 = arith.index_cast %scan3A_156 : i32 to index
      %get3A_188 = arith.constant 48 : index
      %get3A_189 = tpu.vector_load %arg6[%get3A_187, %get3A_188] {strides = array<i32>} : memref<256x64xf32, #tpu.memory_space<vmem>>, vector<16xf32>,
      %get3A_190 = arith.index_cast %scan3A_156 : i32 to index
      %get3A_191 = arith.constant 48 : index
      %get3A_192 = tpu.vector_load %arg6[%get3A_190, %get3A_191] {strides = array<i32>} : memref<256x64xf32, #tpu.memory_space<vmem>>, vector<16xf32>,
      %add3A_193 = arith.addf %get3A_189, %get3A_192 : vector<16xf32>
      %swap3A_194 = arith.index_cast %scan3A_156 : i32 to index
      %swap3A_195 = arith.constant 48 : index
      %swap3A_196 = tpu.vector_load %arg6[%swap3A_194, %swap3A_195] {strides = array<i32>} : memref<256x64xf32, #tpu.memory_space<vmem>>, vector<16xf32>,
      tpu.vector_store %arg6[%swap3A_194, %swap3A_195], %add3A_193 {strides = array<i32>} : memref<256x64xf32, #tpu.memory_space<vmem>>, vector<16xf32>,
    }
    %scan3A_22 = arith.constant 256 : i32
    %add3A_23 = arith.constant 6144 : i32
    %add3A_24 = arith.addi %mul3A_2, %add3A_23 : i32
    %dma_start3A = arith.constant 0 : i32
    %dma_start3A_25 = tpu.memref_slice %arg4[%add3A_24, %dma_start3A] : memref<204800x64xf32, #tpu.memory_space<hbm>> -> memref<256x64xf32, #tpu.memory_space<hbm>>
    %dma_start3A_26 = arith.constant 0 : i32
    %dma_start3A_27 = tpu.memref_slice %arg4[%add3A_24, %dma_start3A_26] : memref<204800x64xf32, #tpu.memory_space<hbm>> -> memref<256x64xf32, #tpu.memory_space<hbm>>
    tpu.enqueue_dma source(%arg6 : memref<256x64xf32, #tpu.memory_space<vmem>>) target(%dma_start3A_27 : memref<256x64xf32, #tpu.memory_space<hbm>>) target_semaphore(%arg11 : memref<!tpu.dma_semaphore, #tpu.memory_space<semaphore_mem>>)
    %dma_wait3A_28 = arith.constant 0 : i32
    %dma_wait3A_29 = tpu.memref_slice %arg4[%mul3A_2, %dma_wait3A_28] : memref<204800x64xf32, #tpu.memory_space<hbm>> -> memref<256x64xf32, #tpu.memory_space<hbm>>
    %dma_wait3A_30 = arith.constant 0 : i32
    %dma_wait3A_31 = tpu.memref_slice %arg4[%mul3A_2, %dma_wait3A_30] : memref<204800x64xf32, #tpu.memory_space<hbm>> -> memref<256x64xf32, #tpu.memory_space<hbm>>
    tpu.wait_dma2 semaphore(%arg11 : memref<!tpu.dma_semaphore, #tpu.memory_space<semaphore_mem>>) src(%arg6 : memref<256x64xf32, #tpu.memory_space<vmem>>) dst(%dma_wait3A_31 : memref<256x64xf32, #tpu.memory_space<hbm>>)
    return
  }
}

</mosaic_0001>

<sc_bundles>
// kernel: kernel.3.cloned.1.call-start
scs
__scs_entry_jumppad:
0x0: {  	(pc) =	sbr.rel $0x88, $3  }
0x1: {  	(tag) =	ssettag $0x0;
	lr =	simm.s32 $0x1  }
0x2: {  	[smem:$0x3F9F] =	sst lr;
	_ =	strace $0xD0000000  }
0x3: {  	_ = 	snop  }
0x4: {  	_ = 	snop  }
0x5: {  	_ = 	snop  }
0x6: {  	_ = 	snop  }
0x7: {  	_ = 	snop  }
__scs_overlays_trampoline_lowered:
0x8: {  	[smem:$0x3FAE] =	sst s0  }
0x9: {  	[smem:$0x3FAF] =	sst s1  }
0xa: {  	[smem:$0x3FB0] =	sst s2  }
0xb: {  	[smem:$0x3FB1] =	sst s3  }
0xc: {  	[smem:$0x3FB2] =	sst s4  }
0xd: {  	[smem:$0x3FB3] =	sst s5  }
0xe: {  	[smem:$0x3FB4] =	sst s6  }
0xf: {  	[smem:$0x3FB5] =	sst s7  }
0x10: {  	[smem:$0x3FB6] =	sst s8  }
0x11: {  	[smem:$0x3FB7] =	sst s9;
	s0 =	simm.s32 @!p0 $0x0  }
0x12: {  	s1 =	sld [smem:$0x3F9D];
	s0 =	simm.s32 @p0 $0x1  }
0x13: {  	[smem:$0x3FB8] =	sst s0;
	s0 =	simm.s32 @!p1 $0x0  }
0x14: {  	s2 =	sld [smem:$0x3F9C];
	s0 =	simm.s32 @p1 $0x1  }
0x15: {  	[smem:$0x3FB9] =	sst s0;
	s0 =	simm.s32 @!p2 $0x0  }
0x16: {  	s3 =	sld [smem:$0x3FDB];
	s0 =	simm.s32 @p2 $0x1  }
0x17: {  	s4 =	simm.s32 $0x1BF5;
	[smem:$0x3FBB] =	sst s0  }
0x18: {  	s0 =	sld [smem:$0x3F9E];
	_ =	swait.ge [sflag:s4], $0x0  }
0x19: {  	s7 =	sld [smem:$0x3F9F]  }
0x1a: {  	s8 =	sadd.s32 $0xFFFFE003, lr  }
0x1b: {  	s9 =	sadd.s32 $0xFFFFFEF7, lr;
	s5 =	simm.s32 $0xFFFFFFFF;
	p2 =	slt.u32 s8, $0xFFFFF086  }
0x1c: {  	p1 =	slt.u32 s9, $0xF7A;
	s5 =	simm.s32 @!p2 $0x0  }
0x1d: {  	s5 =	simm.s32 @p1 $0x1;
	p0 =	seq.s32 s7, s2  }
0x1e: {  	s7 =	smul.u32 @!p0 $0xF7A, s2;
	p2 =	seq.s32 @!p0 s5, $0x0  }
0x1f: {  	s9 =	smul.u32 $0xF7A, s1;
	s8 =	simm.s32 @!p0 $0x1BF5;
	p2 =	por !p2, p0  }
0x20: {  	[sflag:s8] =	ssyncset.s32 @!p0 $0xFFFFF086;
	s6 =	sadd.s32 @!p0 s3, s7;
	s7 =	simm.s32 @!p0 $0x108  }
0x21: {  	s3 =	sadd.s32 s3, s9;
	s6 =	sadd.s32 @!p0 $0x88, s6;
	s7 =	simm.s32 @p2 $0x1082  }
0x22: {  	[simem:s7], [sflag:s8] =	dma.local @!p0 [hbm:s6], $0xF7A  }
0x23: {  	s9 =	sor.u32 $0xD0000000, s2;
	s6 =	simm.s32 $0x108;
	_ =	swait.ge @!p0 [sflag:s8], $0x0  }
0x24: {  	s3 =	sadd.s32 $0x88, s3;
	s6 =	simm.s32 @!p1 $0x1082;
	[sflag:s4] =	ssyncset.s32 $0xFFFFF086  }
0x25: {  	[simem:s6], [sflag:s4] =	dma.local [hbm:s3], $0xF7A  }
0x26: {  	[smem:$0x3F9F] =	sst s1;
	(tag) =	ssettag s2;
	_ =	strace s9  }
0x27: {  	s1 =	sld [smem:$0x3FAF]  }
0x28: {  	s2 =	sld [smem:$0x3FB0]  }
0x29: {  	s4 =	sld [smem:$0x3FB2]  }
0x2a: {  	p0 =	seq.s32 s5, $0x0;
	s5 =	sld [smem:$0x3FB3]  }
0x2b: {  	s6 =	sld [smem:$0x3FB4]  }
0x2c: {  	s7 =	sld [smem:$0x3FB5]  }
0x2d: {  	s3 =	simm.s32 $0x108;
	s8 =	sld [smem:$0x3FB6]  }
0x2e: {  	s3 =	simm.s32 @!p0 $0x1082;
	s9 =	sld [smem:$0x3FB7]  }
0x2f: {  	lr =	sadd.s32 s0, s3;
	s0 =	sld [smem:$0x3FAE]  }
0x30: {  	s3 =	sld [smem:$0x3FB1]  }
0x31: {  	[smem:$0x3FBA] =	sst s10  }
0x32: {  	s10 =	sld [smem:$0x3FB8];
	_ =	sdelay $0x3  }
0x33: {  	p0 =	seq.s32 s10, $0x1;
	s10 =	sld [smem:$0x3FBA];
	_ =	sdelay $0x3  }
0x34: {  	[smem:$0x3FBA] =	sst s10  }
0x35: {  	s10 =	sld [smem:$0x3FB9];
	_ =	sdelay $0x3  }
0x36: {  	p1 =	seq.s32 s10, $0x1;
	s10 =	sld [smem:$0x3FBA];
	_ =	sdelay $0x3  }
0x37: {  	[smem:$0x3FBA] =	sst s10  }
0x38: {  	s10 =	sld [smem:$0x3FBB]  }
0x39: {  	_ = 	snop;
	(pc) =	sbr.ind lr, $3  }
0x3a: {  	_ = 	snop  }
0x3b: {  	_ = 	snop  }
0x3c: {  	p2 =	seq.s32 s10, $0x1;
	s10 =	sld [smem:$0x3FBA]  }
0x3d: {  	_ =	shalt  }
0x3e: {  	_ =	shalt  }
0x3f: {  	_ =	shalt  }
0x40: {  	_ =	shalt  }
0x41: {  	_ =	shalt  }
0x42: {  	_ =	shalt  }
0x43: {  	_ =	shalt  }
0x44: {  	_ =	shalt  }
0x45: {  	_ =	shalt  }
0x46: {  	_ =	shalt  }
0x47: {  	_ =	shalt  }
0x48: {  	_ =	shalt  }
0x49: {  	_ =	shalt  }
0x4a: {  	_ =	shalt  }
0x4b: {  	_ =	shalt  }
0x4c: {  	_ =	shalt  }
0x4d: {  	_ =	shalt  }
0x4e: {  	_ =	shalt  }
0x4f: {  	_ =	shalt  }
0x50: {  	_ =	shalt  }
0x51: {  	_ =	shalt  }
0x52: {  	_ =	shalt  }
0x53: {  	_ =	shalt  }
0x54: {  	_ =	shalt  }
0x55: {  	_ =	shalt  }
0x56: {  	_ =	shalt  }
0x57: {  	_ =	shalt  }
0x58: {  	_ =	shalt  }
0x59: {  	_ =	shalt  }
0x5a: {  	_ =	shalt  }
0x5b: {  	_ =	shalt  }
0x5c: {  	_ =	shalt  }
0x5d: {  	_ =	shalt  }
0x5e: {  	_ =	shalt  }
0x5f: {  	_ =	shalt  }
0x60: {  	_ =	shalt  }
0x61: {  	_ =	shalt  }
0x62: {  	_ =	shalt  }
0x63: {  	_ =	shalt  }
0x64: {  	_ =	shalt  }
0x65: {  	_ =	shalt  }
0x66: {  	_ =	shalt  }
0x67: {  	_ =	shalt  }
0x68: {  	_ =	shalt  }
0x69: {  	_ =	shalt  }
0x6a: {  	_ =	shalt  }
0x6b: {  	_ =	shalt  }
0x6c: {  	_ =	shalt  }
0x6d: {  	_ =	shalt  }
0x6e: {  	_ =	shalt  }
0x6f: {  	_ =	shalt  }
0x70: {  	_ =	shalt  }
0x71: {  	_ =	shalt  }
0x72: {  	_ =	shalt  }
0x73: {  	_ =	shalt  }
0x74: {  	_ =	shalt  }
0x75: {  	_ =	shalt  }
0x76: {  	_ =	shalt  }
0x77: {  	_ =	shalt  }
0x78: {  	_ =	shalt  }
0x79: {  	_ =	shalt  }
0x7a: {  	_ =	shalt  }
0x7b: {  	_ =	shalt  }
0x7c: {  	_ =	shalt  }
0x7d: {  	_ =	shalt  }
0x7e: {  	_ =	shalt  }
0x7f: {  	_ =	shalt  }
0x80: {  	_ =	shalt  }
0x81: {  	_ =	shalt  }
0x82: {  	_ =	shalt  }
0x83: {  	_ =	shalt  }
0x84: {  	_ =	shalt  }
0x85: {  	_ =	shalt  }
0x86: {  	_ =	shalt  }
0x87: {  	_ =	shalt  }
.Lfunc_end0:
.L_simem_size_0:
called_computation.1_lowered:
.L_overlay_start_0:
0x88: {  	s2 =	sld [smem:$0x3FD9]  }
0x89: {  	s3 =	sld [smem:$0x3FFE];
	_ =	sdelay $0x1  }
0x8a: {  	s1 =	srdreg.scid  }
0x8b: {  	s0 =	sand.u32 $0x1, s1  }
0x8c: {  	s17 =	sshll.u32 s0, $0xA;
	s2 =	sadd.s32 s3, s2  }
0x8d: {  	s2 =	sadd.s32 s2, s17  }
0x8e: {  	[smem:$0x3FC6] =	sst s2  }
0x8f: {  	_ = 	snop  }
0x90: {  	s2 =	sld [smem:$0x3FD0];
	(tm) =	ssettm $0x1  }
0x91: {  	s18 =	sld [smem:$0x3FFB];
	_ =	sdelay $0x3  }
0x92: {  	_ =	strace s18  }
0x93: {  	s3 =	sld [smem:$0x3FFC];
	_ =	sdelay $0x3  }
0x94: {  	_ =	strace s3  }
0x95: {  	s3 =	sld [smem:$0x3FFD];
	_ =	sdelay $0x3  }
0x96: {  	_ =	strace s3  }
0x97: {  	_ =	strace $0x8FFFFFFF  }
0x98: {  	s19 =	sld [smem:$0x3FDB];
	_ =	sdelay $0x1  }
0x99: {  	s4 =	simm.s32 $_scs_section_size  }
0x9a: {  	s5 =	simm.s32 $_size__tile_overlayer_lowered;
	s6 =	simm.s32 $_tile_overlayer_lowered  }
0x9b: {  	s22 =	simm.s32 $0x1BFF;
	s21 =	sshll.u32 s6, $0x1;
	s3 =	sadd.s32 s4, s19  }
0x9c: {  	s7 =	simm.s32 $0x0;
	s20 =	sshll.u32 s5, $0x1;
	s5 =	sadd.s32 s21, s3  }
0x9d: {  	[timem:s7], [sflag:s22] =	dma.local [hbm:s5], s20  }
0x9e: {  	_ =	swait.ge [sflag:s22], s20  }
0x9f: {  	s4 =	ssub.s32 $0x0, s20;
	[sflag:s22] =	ssyncset.done $0x0  }
0xa0: {  	[sflag:s22] =	ssyncadd.s32 s4;
	_ =	sdelay $0x1  }
0xa1: {  	s23 =	simm.s32 $0x1B8B  }
0xa2: {  	_ =	swait.ge [sflag:s23], $0x1  }
0xa3: {  	[sflag:s23] =	ssyncset.done $0x0  }
0xa4: {  	s25 =	simm.s32 $0x1B8E;
	s24 =	sld [smem:$0x3FFE];
	[sflag:s23] =	ssyncadd.s32 $0xFFFFFFFF  }
0xa5: {  	s26 =	simm.s32 $execute0_lowered;
	[smem:$0x3FD2] =	sst s25  }
0xa6: {  	s5 =	sshll.u32 s26, $0x1;
	_ =	strace $0x80000046;
	[dreg:$0x1] =	wrdreg $0xFFFFFFFF  }
0xa7: {  	s28 =	simm.s32 $_size_execute0_lowered;
	s3 =	sadd.s32 s3, s5;
	[dreg:$0x0] =	wrdreg $0x0  }
0xa8: {  	s5 =	sshll.u32 s28, $0x1;
	[dreg:$0x2] =	wrdreg s3  }
0xa9: {  	[dreg:$0x3] =	wrdreg s5  }
0xaa: {  	[dreg:$0x4] =	wrdreg $0xC0  }
0xab: {  	_ =	task [dreg:s7], $0x5FFFF  }
0xac: {  	[dreg:$0x1] =	wrdreg $0xFFFFFFFF  }
0xad: {  	[dreg:$0x0] =	wrdreg $0x60  }
0xae: {  	[dreg:$0x2] =	wrdreg s24  }
0xaf: {  	[dreg:$0x3] =	wrdreg s2  }
0xb0: {  	[dreg:$0x4] =	wrdreg $0x100000  }
0xb1: {  	[dreg:$0x5] =	wrdreg $0x9  }
0xb2: {  	_ =	task.clear_ibuf [dreg:s7], $0x6FFFF;
	_ =	strace $0x90000046  }
0xb3: {  	s29 =	simm.s32 $0x9;
	_ =	strace $0x80000048  }
0xb4: {  	_ =	swait.ge [sflag:s29], $0x1  }
0xb5: {  	[sflag:s29] =	ssyncadd.s32 $0xFFFFFFFF  }
0xb6: {  	_ =	strace $0x90000048  }
0xb7: {  	_ =	sfence  }
0xb8: {  	s30 =	sld [smem:$0x0];
	_ =	sdelay $0x2  }
0xb9: {  	s31 =	sshll.u32 s1, $0xD;
	s1 =	sshrl.u32 s1, $0x2  }
0xba: {  	s3 =	sand.u32 $0x4000, s31;
	s1 =	sadd.s32 s1, s30  }
0xbb: {  	s0 =	sor.u32 s3, s0;
	s1 =	sshll.u32 s1, $0x11  }
0xbc: {  	s0 =	sor.u32 s1, s0  }
0xbd: {  	s0 =	sadd.s32 $0x8F2B, s0  }
0xbe: {  	[sflag:s0] =	ssyncadd.remote.s32 $0x1  }
0xbf: {  	_ =	sfence.sel $0xFFFF  }
0xc0: {  	[dreg:$0x0] =	wrdreg $0xFFFFFFFF;
	(pc) =	sbr.abs _section_cstart, $3  }
0xc1: {  	[dreg:$0x1] =	wrdreg $0xFFFFFFFF  }
0xc2: {  	_ =	task.clear_ibuf [dreg:s7], $0x2FFFF;
	_ =	strace $0x9FFFFFFF  }
0xc3: {  	(tm) =	ssettm $0x7FFFFFFF  }
tec
execute0_lowered:
.L_overlay_start_1:
0x0: {  	(tag) =	ssettag $0x1  }
0x1: {  	s0 =	rddreg [dreg:$0x0]  }
0x2: {  	s10 =	rddreg [dreg:$0x1]  }
0x3: {  	s8 =	rddreg [dreg:$0x2];
	s2 =	simm.s32 $0x0  }
0x4: {  	s4 =	srdreg.scid;
	s1 =	stileid.u32;
	s16 =	simm.s32 $0x1  }
0x5: {  	s17 =	simm.s32 $0x80;
	s19 =	simm.s32 $0x5;
	s20 =	simm.s32 $0x3  }
0x6: {  	[smem:$0x7FF] =	sst s2;
	s3 =	sadd.s32 $0x800, s0;
	s5 =	sand.u32 $0x1, s4  }
0x7: {  	s22 =	sshrl.u32 s1, $0x3;
	s6 =	sshll.u32 s1, $0x1;
	s4 =	sadd.s32 $0xF42C00, s0  }
0x8: {  	s11 =	sshll.u32 s1, $0x7;
	s13 =	sshll.u32 s1, $0x6;
	_ =	strace $0x80000047  }
0x9: {  	s9 =	ssub.s32 $0x2, s5;
	s7 =	smul.u32 $0x32000, s22;
	s6 =	sor.u32 s5, s6  }
0xa: {  	s28 =	sor.u32 $0x1C05, s13;
	s23 =	sshrl.u32 s9, $0x1;
	s5 =	smul.u32 $0xC8000, s6  }
0xb: {  	s6 =	smul.u32 $0x1900, s6;
	[dreg:$0x5] =	wrdreg s28;
	s12 =	sshrl.u32 s7, $0x2  }
0xc: {  	s7 =	sand.u32 $0x380, s11;
	s0 =	ssub.s32 s9, s23;
	s8 =	sadd.s32 s12, s8  }
0xd: {  	s24 =	sshrl.u32 s5, $0x3;
	s25 =	sshrl.u32 s6, $0x3;
	s0 =	smax.u32 s0, $0x1  }
0xe: {  	s14 =	sadd.s32 s4, s24;
	s26 =	sadd.s32 s10, s25;
	[dreg:$0x7] =	wrdreg s0  }
0xf: {  	s9 =	sadd.s32 s7, s8;
	[dreg:$0x4] =	wrdreg s26;
	s29 =	sadd.s32 $0x18000, s14  }
0x10: {  	s21 =	simm.s32 $0x2;
	s30 =	sadd.s32 $0x400, s9;
	[dreg:$0x6] =	wrdreg s29  }
0x11: {  	s1 =	simm.s32 $0x0;
	s31 =	sshrl.u32 s9, $0x3;
	[dreg:$0x8] =	wrdreg s30  }
0x12: {  	s22 =	simm.s32 $0x8000;
	s23 =	simm.s32 $0x4;
	[dreg:$0x9] =	wrdreg s31  }
.LBB2_1:
0x13: {  	[dreg:$0xa] =	wrdreg s1  }
0x14: {  	s0 =	rddreg [dreg:$0x4]  }
0x15: {  	s26 =	rddreg [dreg:$0x5]  }
0x16: {  	s10 =	rddreg [dreg:$0x9];
	s11 =	simm.s32 $0x10  }
0x17: {  	[spmem:s10@s17], [sflag:s26] =	dma.strided [hbm:s0@s11], $0x320, s16, $0x10   }
0x18: {  	_ =	swait.ge [sflag:s19], $0x320  }
0x19: {  	[sflag:s19] =	ssyncset.done $0x0  }
0x1a: {  	[sflag:s19] =	ssyncadd.s32 $0xFFFFFCE0  }
0x1b: {  	[smem:s2], [sflag:$0x5] =	stream.linear.gather [spmem:s9], $0x80, $0x38;
	[tilespmem:$0x11900] =	vst v63  }
0x1c: {  	s11 =	rddreg [dreg:$0x8]  }
0x1d: {  	[smem:s17], [sflag:$0x5] =	stream.linear.gather [spmem:s11], $0x80, $0x38;
	[tilespmem:$0x11900] =	vst v63  }
0x1e: {  	_ =	swait.ge [sflag:s19], $0x100  }
0x1f: {  	[sflag:s19] =	ssyncset.done $0x0  }
0x20: {  	[sflag:s19] =	ssyncadd.s32 $0xFFFFFF00  }
0x21: {  	s0 =	sld [smem:$0x7]  }
0x22: {  	s25 =	sld [smem:$0x6]  }
0x23: {  	s28 =	sld [smem:$0x5]  }
0x24: {  	s29 =	sld [smem:$0x0]  }
0x25: {  	s12 =	simm.s32 $0x100;
	s14 =	simm.s32 $0x0;
	s30 =	sld [smem:$0x4]  }
0x26: {  	s15 =	simm.s32 $0x80;
	s26 =	simm.s32 $0x200;
	s31 =	sld [smem:$0x1]  }
0x27: {  	s0 =	sshll.u32 s0, $0x4;
	s29 =	sshll.u32 s29, $0x4;
	s18 =	sld [smem:$0x3]  }
0x28: {  	s0 =	sand.u32 $0x1FFFFFF0, s0;
	s29 =	sand.u32 $0x1FFFFFF0, s29;
	s13 =	sld [smem:$0x2]  }
0x29: {  	s28 =	sshll.u32 s28, $0x4;
	s29 =	sadd.s32 s3, s29;
	s31 =	sshll.u32 s31, $0x4  }
0x2a: {  	[tilespmem:s14], [sflag:$0x1] =	stream.linear.gather [hbm4b:s29+s2], $0x80, $0x38;
	[tilespmem:$0x11900] =	vst v63  }
0x2b: {  	s24 =	sshll.u32 s30, $0x4;
	s29 =	sand.u32 $0x1FFFFFF0, s31;
	s10 =	sshll.u32 s13, $0x4  }
0x2c: {  	s18 =	sshll.u32 s18, $0x4;
	s29 =	sadd.s32 s3, s29;
	s10 =	sand.u32 $0x1FFFFFF0, s10  }
0x2d: {  	[tilespmem:s15], [sflag:$0x1] =	stream.linear.gather [hbm4b:s29+s2], $0x80, $0x38;
	[tilespmem:$0x11900] =	vst v63  }
0x2e: {  	s30 =	simm.s32 $0x380;
	s18 =	sand.u32 $0x1FFFFFF0, s18;
	s10 =	sadd.s32 s3, s10  }
0x2f: {  	[tilespmem:s12], [sflag:$0x1] =	stream.linear.gather [hbm4b:s10+s2], $0x80, $0x38;
	[tilespmem:$0x11900] =	vst v63  }
0x30: {  	s14 =	sand.u32 $0x1FFFFFF0, s24;
	s13 =	simm.s32 $0x180;
	s12 =	sadd.s32 s3, s18  }
0x31: {  	[tilespmem:s13], [sflag:$0x1] =	stream.linear.gather [hbm4b:s12+s2], $0x80, $0x38;
	[tilespmem:$0x11900] =	vst v63  }
0x32: {  	s11 =	sadd.s32 s3, s14;
	s15 =	sshll.u32 s25, $0x4;
	s18 =	sand.u32 $0x1FFFFFF0, s28  }
0x33: {  	[tilespmem:s26], [sflag:$0x1] =	stream.linear.gather [hbm4b:s11+s2], $0x80, $0x38;
	[tilespmem:$0x11900] =	vst v63  }
0x34: {  	s24 =	simm.s32 $0x280;
	s1 =	sand.u32 $0x1FFFFFF0, s15;
	s10 =	sadd.s32 s3, s18  }
0x35: {  	[tilespmem:s24], [sflag:$0x1] =	stream.linear.gather [hbm4b:s10+s2], $0x80, $0x38;
	[tilespmem:$0x11900] =	vst v63  }
0x36: {  	s31 =	sadd.s32 s3, s0;
	s25 =	simm.s32 $0x300;
	s1 =	sadd.s32 s3, s1  }
0x37: {  	[tilespmem:s25], [sflag:$0x1] =	stream.linear.gather [hbm4b:s1+s2], $0x80, $0x38;
	[tilespmem:$0x11900] =	vst v63  }
0x38: {  	s29 =	simm.s32 $0xC;
	s28 =	simm.s32 $0x0;
	s25 =	simm.s32 $0x0  }
.LBB2_2:
0x39: {  	s0 =	sld [smem:s29+$0x3];
	s28 =	sadd.s32 $0x8, s28;
	s26 =	sadd.s32 $0x400, s26  }
0x3a: {  	[tilespmem:s30], [sflag:$0x1] =	stream.linear.gather [hbm4b:s31+s25], $0x80, $0x38;
	[tilespmem:$0x11900] =	vst v63  }
0x3b: {  	p0 =	slt.u32 s28, $0xF8;
	s1 =	sld [smem:s29+$0x2]  }
0x3c: {  	s10 =	sld [smem:s29+$0x1];
	s0 =	sshll.u32 s0, $0x4  }
0x3d: {  	s11 =	sld [smem:s29+$0xFFFFFFFC];
	s0 =	sand.u32 $0x1FFFFFF0, s0  }
0x3e: {  	s30 =	sadd.s32 $0x80, s26;
	s18 =	sld [smem:s29+$0x0];
	s1 =	sshll.u32 s1, $0x4  }
0x3f: {  	s12 =	sadd.s32 $0xFFFFFF00, s26;
	s31 =	sld [smem:s29+$0xFFFFFFFD];
	s10 =	sshll.u32 s10, $0x4  }
0x40: {  	s13 =	sadd.s32 $0xFFFFFE80, s26;
	s11 =	sshll.u32 s11, $0x4;
	s14 =	sld [smem:s29+$0xFFFFFFFF]  }
0x41: {  	s25 =	simm.s32 $0x0;
	s11 =	sand.u32 $0x1FFFFFF0, s11;
	s15 =	sld [smem:s29+$0xFFFFFFFE]  }
0x42: {  	s24 =	sadd.s32 $0xFFFFFE00, s26;
	s11 =	sadd.s32 s3, s11;
	s31 =	sshll.u32 s31, $0x4  }
0x43: {  	[tilespmem:s24], [sflag:$0x1] =	stream.linear.gather [hbm4b:s11+s25], $0x80, $0x38;
	[tilespmem:$0x11900] =	vst v63  }
0x44: {  	s11 =	sand.u32 $0x1FFFFFF0, s31;
	s14 =	sshll.u32 s14, $0x4;
	s15 =	sshll.u32 s15, $0x4  }
0x45: {  	s11 =	sadd.s32 s3, s11;
	s14 =	sand.u32 $0x1FFFFFF0, s14;
	s15 =	sand.u32 $0x1FFFFFF0, s15  }
0x46: {  	[tilespmem:s13], [sflag:$0x1] =	stream.linear.gather [hbm4b:s11+s25], $0x80, $0x38;
	[tilespmem:$0x11900] =	vst v63  }
0x47: {  	s11 =	sadd.s32 s3, s15;
	s13 =	sadd.s32 s3, s14;
	s14 =	sshll.u32 s18, $0x4  }
0x48: {  	[tilespmem:s12], [sflag:$0x1] =	stream.linear.gather [hbm4b:s11+s25], $0x80, $0x38;
	[tilespmem:$0x11900] =	vst v63  }
0x49: {  	s10 =	sand.u32 $0x1FFFFFF0, s10;
	s11 =	sadd.s32 $0xFFFFFF80, s26;
	s12 =	sand.u32 $0x1FFFFFF0, s14  }
0x4a: {  	[tilespmem:s11], [sflag:$0x1] =	stream.linear.gather [hbm4b:s13+s25], $0x80, $0x38;
	[tilespmem:$0x11900] =	vst v63  }
0x4b: {  	s1 =	sand.u32 $0x1FFFFFF0, s1;
	s10 =	sadd.s32 s3, s10;
	s11 =	sadd.s32 s3, s12  }
0x4c: {  	[tilespmem:s26], [sflag:$0x1] =	stream.linear.gather [hbm4b:s11+s25], $0x80, $0x38;
	[tilespmem:$0x11900] =	vst v63  }
.Ltmp0:
0x4d: {  	_ = 	snop;
	(pc) =	sbr.rel @p0 .LBB2_2-.Ltmp0, $4  }
0x4e: {  	s1 =	sadd.s32 s3, s1;
	s11 =	sadd.s32 $0x100, s26  }
0x4f: {  	[tilespmem:s30], [sflag:$0x1] =	stream.linear.gather [hbm4b:s10+s25], $0x80, $0x38;
	[tilespmem:$0x11900] =	vst v63  }
0x50: {  	s29 =	sadd.s32 $0x8, s29;
	s31 =	sadd.s32 s3, s0;
	s30 =	sadd.s32 $0x180, s26  }
0x51: {  	[tilespmem:s11], [sflag:$0x1] =	stream.linear.gather [hbm4b:s1+s25], $0x80, $0x38;
	[tilespmem:$0x11900] =	vst v63  }
0x52: {  	[tilespmem:s30], [sflag:$0x1] =	stream.linear.gather [hbm4b:s31+s25], $0x80, $0x38;
	[tilespmem:$0x11900] =	vst v63  }
.LBB2_4:
0x53: {  	s0 =	sshll.u32 s25, $0x9  }
0x54: {  	s26 =	sor.u32 $0x100, s0  }
0x55: {  	s0 =	sshll.u32 s26, $0x3  }
0x56: {  	s0 =	sand.u32 $0x3FFFF800, s0  }
0x57: {  	s0 =	sadd.s32 s0, s9  }
0x58: {  	[smem:s2], [sflag:$0x5] =	stream.linear.gather [spmem:s0], $0x80, $0x38;
	[tilespmem:$0x11900] =	vst v63  }
0x59: {  	s0 =	sadd.s32 $0x400, s0  }
0x5a: {  	[smem:s17], [sflag:$0x5] =	stream.linear.gather [spmem:s0], $0x80, $0x38;
	[tilespmem:$0x11900] =	vst v63  }
0x5b: {  	_ =	swait.ge [sflag:s19], $0x100  }
0x5c: {  	[sflag:s19] =	ssyncset.done $0x0  }
0x5d: {  	[sflag:s19] =	ssyncadd.s32 $0xFFFFFF00  }
0x5e: {  	s18 =	sld [smem:$0x6]  }
0x5f: {  	s1 =	sld [smem:$0x5]  }
0x60: {  	s10 =	sld [smem:$0x0]  }
0x61: {  	s12 =	simm.s32 $0x8200;
	s11 =	sld [smem:$0x4]  }
0x62: {  	s15 =	simm.s32 $0x8100;
	s24 =	simm.s32 $0x8000;
	s13 =	sld [smem:$0x1]  }
0x63: {  	s28 =	simm.s32 $0x8380;
	s10 =	sshll.u32 s10, $0x4;
	s14 =	sld [smem:$0x3]  }
0x64: {  	s0 =	sshll.u32 s18, $0x4;
	s10 =	sand.u32 $0x1FFFFFF0, s10;
	s18 =	sld [smem:$0x2]  }
0x65: {  	s1 =	sshll.u32 s1, $0x4;
	s10 =	sadd.s32 s3, s10;
	s13 =	sshll.u32 s13, $0x4  }
0x66: {  	[tilespmem:s24], [sflag:$0x2] =	stream.linear.gather [hbm4b:s10+s2], $0x80, $0x38;
	[tilespmem:$0x11900] =	vst v63  }
0x67: {  	s24 =	simm.s32 $0x8080;
	s13 =	sand.u32 $0x1FFFFFF0, s13;
	s18 =	sshll.u32 s18, $0x4  }
0x68: {  	s14 =	sshll.u32 s14, $0x4;
	s13 =	sadd.s32 s3, s13;
	s18 =	sand.u32 $0x1FFFFFF0, s18  }
0x69: {  	[tilespmem:s24], [sflag:$0x2] =	stream.linear.gather [hbm4b:s13+s2], $0x80, $0x38;
	[tilespmem:$0x11900] =	vst v63  }
0x6a: {  	s11 =	sshll.u32 s11, $0x4;
	s14 =	sand.u32 $0x1FFFFFF0, s14;
	s18 =	sadd.s32 s3, s18  }
0x6b: {  	[tilespmem:s15], [sflag:$0x2] =	stream.linear.gather [hbm4b:s18+s2], $0x80, $0x38;
	[tilespmem:$0x11900] =	vst v63  }
0x6c: {  	s11 =	sand.u32 $0x1FFFFFF0, s11;
	s10 =	sadd.s32 s3, s14;
	s24 =	simm.s32 $0x8180  }
0x6d: {  	[tilespmem:s24], [sflag:$0x2] =	stream.linear.gather [hbm4b:s10+s2], $0x80, $0x38;
	[tilespmem:$0x11900] =	vst v63  }
0x6e: {  	s1 =	sand.u32 $0x1FFFFFF0, s1;
	s14 =	sadd.s32 s3, s11;
	s15 =	sld [smem:$0x7]  }
0x6f: {  	[tilespmem:s12], [sflag:$0x2] =	stream.linear.gather [hbm4b:s14+s2], $0x80, $0x38;
	[tilespmem:$0x11900] =	vst v63  }
0x70: {  	s0 =	sand.u32 $0x1FFFFFF0, s0;
	s1 =	sadd.s32 s3, s1;
	s18 =	simm.s32 $0x8280  }
0x71: {  	[tilespmem:s18], [sflag:$0x2] =	stream.linear.gather [hbm4b:s1+s2], $0x80, $0x38;
	[tilespmem:$0x11900] =	vst v63  }
0x72: {  	s29 =	simm.s32 $0x0;
	s0 =	sadd.s32 s3, s0;
	s24 =	simm.s32 $0x8300  }
0x73: {  	[tilespmem:s24], [sflag:$0x2] =	stream.linear.gather [hbm4b:s0+s2], $0x80, $0x38;
	[tilespmem:$0x11900] =	vst v63  }
0x74: {  	s30 =	simm.s32 $0xC;
	s31 =	simm.s32 $0x8600;
	s0 =	sshll.u32 s15, $0x4  }
.LBB2_5:
0x75: {  	s1 =	sadd.s32 $0x180, s31;
	s29 =	sadd.s32 $0x8, s29;
	s0 =	sand.u32 $0x1FFFFFF0, s0  }
0x76: {  	s10 =	sld [smem:s30+$0x2];
	p0 =	slt.u32 s29, $0xF8;
	s0 =	sadd.s32 s3, s0  }
0x77: {  	[tilespmem:s28], [sflag:$0x2] =	stream.linear.gather [hbm4b:s0+s2], $0x80, $0x38;
	[tilespmem:$0x11900] =	vst v63  }
0x78: {  	s28 =	smov.u32 s1;
	s0 =	sld [smem:s30+$0x1]  }
0x79: {  	s1 =	sld [smem:s30+$0xFFFFFFFC]  }
0x7a: {  	s10 =	sshll.u32 s10, $0x4;
	s11 =	sld [smem:s30+$0x0]  }
0x7b: {  	s10 =	sand.u32 $0x1FFFFFF0, s10;
	s12 =	sld [smem:s30+$0xFFFFFFFD];
	s0 =	sshll.u32 s0, $0x4  }
0x7c: {  	s13 =	sadd.s32 $0xFFFFFF00, s31;
	s1 =	sshll.u32 s1, $0x4;
	s14 =	sld [smem:s30+$0xFFFFFFFF]  }
0x7d: {  	s15 =	sadd.s32 $0xFFFFFE80, s31;
	s1 =	sand.u32 $0x1FFFFFF0, s1;
	s18 =	sld [smem:s30+$0xFFFFFFFE]  }
0x7e: {  	s24 =	sadd.s32 $0xFFFFFE00, s31;
	s1 =	sadd.s32 s3, s1;
	s12 =	sshll.u32 s12, $0x4  }
0x7f: {  	[tilespmem:s24], [sflag:$0x2] =	stream.linear.gather [hbm4b:s1+s2], $0x80, $0x38;
	[tilespmem:$0x11900] =	vst v63  }
0x80: {  	s1 =	sand.u32 $0x1FFFFFF0, s12;
	s14 =	sshll.u32 s14, $0x4;
	s12 =	sshll.u32 s18, $0x4  }
0x81: {  	s1 =	sadd.s32 s3, s1;
	s14 =	sand.u32 $0x1FFFFFF0, s14;
	s12 =	sand.u32 $0x1FFFFFF0, s12  }
0x82: {  	[tilespmem:s15], [sflag:$0x2] =	stream.linear.gather [hbm4b:s1+s2], $0x80, $0x38;
	[tilespmem:$0x11900] =	vst v63  }
0x83: {  	s11 =	sshll.u32 s11, $0x4;
	s1 =	sadd.s32 s3, s12;
	s12 =	sadd.s32 s3, s14  }
0x84: {  	[tilespmem:s13], [sflag:$0x2] =	stream.linear.gather [hbm4b:s1+s2], $0x80, $0x38;
	[tilespmem:$0x11900] =	vst v63  }
0x85: {  	s0 =	sand.u32 $0x1FFFFFF0, s0;
	s11 =	sand.u32 $0x1FFFFFF0, s11;
	s1 =	sadd.s32 $0xFFFFFF80, s31  }
0x86: {  	[tilespmem:s1], [sflag:$0x2] =	stream.linear.gather [hbm4b:s12+s2], $0x80, $0x38;
	[tilespmem:$0x11900] =	vst v63  }
0x87: {  	s0 =	sadd.s32 s3, s0;
	s1 =	sadd.s32 s3, s11;
	s11 =	sld [smem:s30+$0x3]  }
0x88: {  	[tilespmem:s31], [sflag:$0x2] =	stream.linear.gather [hbm4b:s1+s2], $0x80, $0x38;
	[tilespmem:$0x11900] =	vst v63  }
.Ltmp1:
0x89: {  	_ = 	snop;
	(pc) =	sbr.rel @p0 .LBB2_5-.Ltmp1, $4  }
0x8a: {  	s10 =	sadd.s32 s3, s10;
	s30 =	sadd.s32 $0x8, s30;
	s1 =	sadd.s32 $0x80, s31  }
0x8b: {  	[tilespmem:s1], [sflag:$0x2] =	stream.linear.gather [hbm4b:s0+s2], $0x80, $0x38;
	[tilespmem:$0x11900] =	vst v63  }
0x8c: {  	s1 =	sadd.s32 $0x100, s31;
	s0 =	sshll.u32 s11, $0x4;
	s31 =	sadd.s32 $0x400, s31  }
0x8d: {  	[tilespmem:s1], [sflag:$0x2] =	stream.linear.gather [hbm4b:s10+s2], $0x80, $0x38;
	[tilespmem:$0x11900] =	vst v63  }
0x8e: {  	s0 =	sand.u32 $0x1FFFFFF0, s0  }
0x8f: {  	s0 =	sadd.s32 s3, s0  }
0x90: {  	[tilespmem:s28], [sflag:$0x2] =	stream.linear.gather [hbm4b:s0+s2], $0x80, $0x38;
	[tilespmem:$0x11900] =	vst v63  }
0x91: {  	_ =	swait.ge [sflag:s16], $0x8000  }
0x92: {  	[sflag:s16] =	ssyncset.done $0x0  }
0x93: {  	s28 =	simm.s32 $0x100;
	[sflag:s16] =	ssyncadd.s32 $0xFFFF8000  }
0x94: {  	v1 =	vld [tilespmem:s28+$0x20]  }
0x95: {  	v2 =	vld [tilespmem:s28+$0xFFFFFF80]  }
0x96: {  	v3 =	vld [tilespmem:s28+$0xA0]  }
0x97: {  	v4 =	vld [tilespmem:s28+$0x90]  }
0x98: {  	v5 =	vld [tilespmem:s28+$0xFFFFFF20]  }
0x99: {  	v0 =	vld [tilespmem:s28+$0x10]  }
0x9a: {  	v7 =	vld [tilespmem:s28+$0xFFFFFF10]  }
0x9b: {  	v8 =	vld [tilespmem:s28+$0x80]  }
0x9c: {  	v9 =	vld [tilespmem:s28+$0xFFFFFF00];
	v4 =	vadd.f32 v4, v4  }
0x9d: {  	v10 =	vld [tilespmem:s28+$0x30];
	v1 =	vadd.f32 v1, v1  }
0x9e: {  	v11 =	vld [tilespmem:s28+$0xFFFFFF90];
	v2 =	vadd.f32 v2, v2;
	[tilespmem:s28+$0x90] =	vst v4  }
0x9f: {  	v6 =	vld [tilespmem:s28+$0xB0];
	v4 =	vadd.f32 v3, v3;
	[tilespmem:s28+$0x20] =	vst v1  }
0xa0: {  	v12 =	vadd.f32 v5, v5;
	v3 =	vld [tilespmem:s28+$0x0];
	[tilespmem:s28+$0xFFFFFF80] =	vst v2  }
0xa1: {  	v2 =	vadd.f32 v8, v8;
	[tilespmem:s28+$0xA0] =	vst v4;
	v4 =	vld [tilespmem:s28+$0xFFFFFFB0]  }
0xa2: {  	v5 =	vld [tilespmem:s28+$0xFFFFFFA0];
	v8 =	vadd.f32 v9, v9;
	v1 =	vadd.f32 v7, v7;
	[tilespmem:s28+$0xFFFFFF20] =	vst v12  }
0xa3: {  	s29 =	simm.s32 $0x0;
	s30 =	simm.s32 $0x300;
	v7 =	vld [tilespmem:s28+$0xFFFFFF30];
	v9 =	vadd.f32 v11, v11;
	[tilespmem:s28+$0x80] =	vst v2;
	v2 =	vadd.f32 v10, v10  }
.LBB2_7:
0xa4: {  	v10 =	vld [tilespmem:s30+$0x20];
	s29 =	sadd.s32 $0x4, s29;
	[tilespmem:s28+$0xFFFFFF00] =	vst v8;
	v0 =	vadd.f32 v0, v0;
	v6 =	vadd.f32 v6, v6  }
0xa5: {  	v8 =	vld [tilespmem:s30+$0xFFFFFF80];
	p0 =	slt.u32 s29, $0xFC;
	[tilespmem:s28+$0xFFFFFF90] =	vst v9;
	v3 =	vadd.f32 v3, v3  }
0xa6: {  	v9 =	vld [tilespmem:s30+$0xA0];
	v4 =	vadd.f32 v4, v4;
	[tilespmem:s28+$0xB0] =	vst v6  }
0xa7: {  	v11 =	vld [tilespmem:s30+$0xFFFFFF20];
	v5 =	vadd.f32 v5, v5;
	[tilespmem:s28+$0x0] =	vst v3  }
0xa8: {  	v3 =	vld [tilespmem:s30+$0x90];
	v6 =	vadd.f32 v7, v7;
	[tilespmem:s28+$0x10] =	vst v0  }
0xa9: {  	v0 =	vld [tilespmem:s30+$0x10];
	v7 =	vadd.f32 v10, v10;
	[tilespmem:s28+$0xFFFFFF10] =	vst v1  }
0xaa: {  	v1 =	vld [tilespmem:s30+$0xFFFFFF10];
	[tilespmem:s28+$0xFFFFFF30] =	vst v6  }
0xab: {  	v10 =	vld [tilespmem:s30+$0x80];
	v9 =	vadd.f32 v9, v9;
	[tilespmem:s28+$0x30] =	vst v2  }
0xac: {  	v2 =	vld [tilespmem:s30+$0xFFFFFF00];
	[tilespmem:s28+$0xFFFFFFB0] =	vst v4  }
0xad: {  	v12 =	vld [tilespmem:s30+$0x30];
	v3 =	vadd.f32 v3, v3;
	[tilespmem:s28+$0xFFFFFFA0] =	vst v5;
	s28 =	smov.u32 s30  }
0xae: {  	v13 =	vld [tilespmem:s30+$0xFFFFFF90];
	[tilespmem:s30+$0x20] =	vst v7  }
.Ltmp2:
0xaf: {  	v4 =	vadd.f32 v8, v8;
	[tilespmem:s30+$0x90] =	vst v3;
	v6 =	vld [tilespmem:s30+$0xB0];
	(pc) =	sbr.rel @p0 .LBB2_7-.Ltmp2, $4  }
0xb0: {  	v3 =	vld [tilespmem:s30+$0x0];
	v7 =	vadd.f32 v10, v10;
	[tilespmem:s30+$0xA0] =	vst v9  }
0xb1: {  	v9 =	vadd.f32 v11, v11;
	[tilespmem:s30+$0xFFFFFF80] =	vst v4;
	v4 =	vld [tilespmem:s30+$0xFFFFFFB0]  }
0xb2: {  	v1 =	vadd.f32 v1, v1;
	v8 =	vadd.f32 v2, v2;
	v5 =	vld [tilespmem:s30+$0xFFFFFFA0];
	[tilespmem:s30+$0x80] =	vst v7  }
0xb3: {  	v2 =	vadd.f32 v12, v12;
	s30 =	sadd.s32 $0x200, s30;
	[tilespmem:s28+$0xFFFFFF20] =	vst v9;
	v7 =	vld [tilespmem:s28+$0xFFFFFF30];
	v9 =	vadd.f32 v13, v13  }
0xb4: {  	[tilespmem:s28+$0xFFFFFF00] =	vst v8  }
0xb5: {  	[tilespmem:s28+$0xFFFFFF10] =	vst v1  }
0xb6: {  	v6 =	vadd.f32 v6, v6;
	[tilespmem:s28+$0xFFFFFF90] =	vst v9  }
0xb7: {  	v0 =	vadd.f32 v0, v0;
	[tilespmem:s28+$0x30] =	vst v2  }
0xb8: {  	v3 =	vadd.f32 v3, v3;
	[tilespmem:s28+$0xB0] =	vst v6  }
0xb9: {  	[tilespmem:s28+$0x10] =	vst v0;
	v62 =	vadd.f32 v4, v4  }
0xba: {  	s0 =	sshll.u32 s25, $0x10;
	[tilespmem:s28+$0x0] =	vst v3;
	v63 =	vadd.f32 v5, v5  }
0xbb: {  	s0 =	sadd.s32 s5, s0;
	v61 =	vadd.f32 v7, v7;
	[tilespmem:s28+$0xFFFFFFB0] =	vst v62  }
0xbc: {  	s0 =	sshrl.u32 s0, $0x3;
	[tilespmem:s28+$0xFFFFFFA0] =	vst v63  }
0xbd: {  	s14 =	sshll.u32 s25, $0xC;
	s0 =	sadd.s32 s4, s0;
	[tilespmem:s28+$0xFFFFFF30] =	vst v61  }
0xbe: {  	[hbm4b:s0+s2] =	stream.linear.scatter [tilespmem:s2], [sflag:$0x3], $0x8000, $0x38;
	[tilespmem:$0x11900] =	vst v63  }
0xbf: {  	s0 =	sand.u32 $0x3FFFF000, s14  }
0xc0: {  	s0 =	sadd.s32 s0, s8  }
0xc1: {  	s0 =	sadd.s32 s7, s0  }
0xc2: {  	s1 =	sadd.s32 $0x1000, s0  }
0xc3: {  	[smem:s2], [sflag:$0x5] =	stream.linear.gather [spmem:s1], $0x80, $0x38;
	[tilespmem:$0x11900] =	vst v63  }
0xc4: {  	s0 =	sadd.s32 $0x1400, s0  }
0xc5: {  	[smem:s17], [sflag:$0x5] =	stream.linear.gather [spmem:s0], $0x80, $0x38;
	[tilespmem:$0x11900] =	vst v63  }
0xc6: {  	_ =	swait.ge [sflag:s19], $0x100  }
0xc7: {  	[sflag:s19] =	ssyncset.done $0x0  }
0xc8: {  	[sflag:s19] =	ssyncadd.s32 $0xFFFFFF00  }
0xc9: {  	_ =	swait.ge [sflag:s20], $0x8000  }
0xca: {  	[sflag:s20] =	ssyncset.done $0x0  }
0xcb: {  	[sflag:s20] =	ssyncadd.s32 $0xFFFF8000  }
0xcc: {  	s15 =	sld [smem:$0x6]  }
0xcd: {  	s18 =	sld [smem:$0x5]  }
0xce: {  	s10 =	sld [smem:$0x0]  }
0xcf: {  	s12 =	simm.s32 $0x200;
	s11 =	sld [smem:$0x4]  }
0xd0: {  	s24 =	simm.s32 $0x0;
	s29 =	simm.s32 $0x0;
	s13 =	sld [smem:$0x1]  }
0xd1: {  	s0 =	sshll.u32 s15, $0x4;
	s10 =	sshll.u32 s10, $0x4;
	s14 =	sld [smem:$0x3]  }
0xd2: {  	s1 =	sshll.u32 s18, $0x4;
	s10 =	sand.u32 $0x1FFFFFF0, s10;
	s18 =	sld [smem:$0x2]  }
0xd3: {  	s15 =	simm.s32 $0x100;
	s10 =	sadd.s32 s3, s10;
	s13 =	sshll.u32 s13, $0x4  }
0xd4: {  	[tilespmem:s24], [sflag:$0x1] =	stream.linear.gather [hbm4b:s10+s2], $0x80, $0x38;
	[tilespmem:$0x11900] =	vst v63  }
0xd5: {  	s24 =	simm.s32 $0x80;
	s13 =	sand.u32 $0x1FFFFFF0, s13;
	s18 =	sshll.u32 s18, $0x4  }
0xd6: {  	s14 =	sshll.u32 s14, $0x4;
	s13 =	sadd.s32 s3, s13;
	s18 =	sand.u32 $0x1FFFFFF0, s18  }
0xd7: {  	[tilespmem:s24], [sflag:$0x1] =	stream.linear.gather [hbm4b:s13+s2], $0x80, $0x38;
	[tilespmem:$0x11900] =	vst v63  }
0xd8: {  	s11 =	sshll.u32 s11, $0x4;
	s14 =	sand.u32 $0x1FFFFFF0, s14;
	s18 =	sadd.s32 s3, s18  }
0xd9: {  	[tilespmem:s15], [sflag:$0x1] =	stream.linear.gather [hbm4b:s18+s2], $0x80, $0x38;
	[tilespmem:$0x11900] =	vst v63  }
0xda: {  	s11 =	sand.u32 $0x1FFFFFF0, s11;
	s10 =	sadd.s32 s3, s14;
	s24 =	simm.s32 $0x180  }
0xdb: {  	[tilespmem:s24], [sflag:$0x1] =	stream.linear.gather [hbm4b:s10+s2], $0x80, $0x38;
	[tilespmem:$0x11900] =	vst v63  }
0xdc: {  	s1 =	sand.u32 $0x1FFFFFF0, s1;
	s14 =	sadd.s32 s3, s11;
	s15 =	sld [smem:$0x7]  }
0xdd: {  	[tilespmem:s12], [sflag:$0x1] =	stream.linear.gather [hbm4b:s14+s2], $0x80, $0x38;
	[tilespmem:$0x11900] =	vst v63  }
0xde: {  	s0 =	sand.u32 $0x1FFFFFF0, s0;
	s1 =	sadd.s32 s3, s1;
	s18 =	simm.s32 $0x280  }
0xdf: {  	[tilespmem:s18], [sflag:$0x1] =	stream.linear.gather [hbm4b:s1+s2], $0x80, $0x38;
	[tilespmem:$0x11900] =	vst v63  }
0xe0: {  	s30 =	simm.s32 $0xC;
	s0 =	sadd.s32 s3, s0;
	s24 =	simm.s32 $0x300  }
0xe1: {  	[tilespmem:s24], [sflag:$0x1] =	stream.linear.gather [hbm4b:s0+s2], $0x80, $0x38;
	[tilespmem:$0x11900] =	vst v63  }
0xe2: {  	s31 =	simm.s32 $0x600;
	s28 =	simm.s32 $0x380;
	s0 =	sshll.u32 s15, $0x4  }
.LBB2_9:
0xe3: {  	s1 =	sadd.s32 $0x180, s31;
	s29 =	sadd.s32 $0x8, s29;
	s0 =	sand.u32 $0x1FFFFFF0, s0  }
0xe4: {  	s10 =	sld [smem:s30+$0x2];
	p0 =	slt.u32 s29, $0xF8;
	s0 =	sadd.s32 s3, s0  }
0xe5: {  	[tilespmem:s28], [sflag:$0x1] =	stream.linear.gather [hbm4b:s0+s2], $0x80, $0x38;
	[tilespmem:$0x11900] =	vst v63  }
0xe6: {  	s28 =	smov.u32 s1;
	s0 =	sld [smem:s30+$0x1]  }
0xe7: {  	s1 =	sld [smem:s30+$0xFFFFFFFC]  }
0xe8: {  	s10 =	sshll.u32 s10, $0x4;
	s11 =	sld [smem:s30+$0x0]  }
0xe9: {  	s10 =	sand.u32 $0x1FFFFFF0, s10;
	s12 =	sld [smem:s30+$0xFFFFFFFD];
	s0 =	sshll.u32 s0, $0x4  }
0xea: {  	s13 =	sadd.s32 $0xFFFFFF00, s31;
	s1 =	sshll.u32 s1, $0x4;
	s14 =	sld [smem:s30+$0xFFFFFFFF]  }
0xeb: {  	s15 =	sadd.s32 $0xFFFFFE80, s31;
	s1 =	sand.u32 $0x1FFFFFF0, s1;
	s18 =	sld [smem:s30+$0xFFFFFFFE]  }
0xec: {  	s24 =	sadd.s32 $0xFFFFFE00, s31;
	s1 =	sadd.s32 s3, s1;
	s12 =	sshll.u32 s12, $0x4  }
0xed: {  	[tilespmem:s24], [sflag:$0x1] =	stream.linear.gather [hbm4b:s1+s2], $0x80, $0x38;
	[tilespmem:$0x11900] =	vst v63  }
0xee: {  	s1 =	sand.u32 $0x1FFFFFF0, s12;
	s14 =	sshll.u32 s14, $0x4;
	s12 =	sshll.u32 s18, $0x4  }
0xef: {  	s1 =	sadd.s32 s3, s1;
	s14 =	sand.u32 $0x1FFFFFF0, s14;
	s12 =	sand.u32 $0x1FFFFFF0, s12  }
0xf0: {  	[tilespmem:s15], [sflag:$0x1] =	stream.linear.gather [hbm4b:s1+s2], $0x80, $0x38;
	[tilespmem:$0x11900] =	vst v63  }
0xf1: {  	s11 =	sshll.u32 s11, $0x4;
	s1 =	sadd.s32 s3, s12;
	s12 =	sadd.s32 s3, s14  }
0xf2: {  	[tilespmem:s13], [sflag:$0x1] =	stream.linear.gather [hbm4b:s1+s2], $0x80, $0x38;
	[tilespmem:$0x11900] =	vst v63  }
0xf3: {  	s0 =	sand.u32 $0x1FFFFFF0, s0;
	s11 =	sand.u32 $0x1FFFFFF0, s11;
	s1 =	sadd.s32 $0xFFFFFF80, s31  }
0xf4: {  	[tilespmem:s1], [sflag:$0x1] =	stream.linear.gather [hbm4b:s12+s2], $0x80, $0x38;
	[tilespmem:$0x11900] =	vst v63  }
0xf5: {  	s0 =	sadd.s32 s3, s0;
	s1 =	sadd.s32 s3, s11;
	s11 =	sld [smem:s30+$0x3]  }
0xf6: {  	[tilespmem:s31], [sflag:$0x1] =	stream.linear.gather [hbm4b:s1+s2], $0x80, $0x38;
	[tilespmem:$0x11900] =	vst v63  }
.Ltmp3:
0xf7: {  	_ = 	snop;
	(pc) =	sbr.rel @p0 .LBB2_9-.Ltmp3, $4  }
0xf8: {  	s10 =	sadd.s32 s3, s10;
	s30 =	sadd.s32 $0x8, s30;
	s1 =	sadd.s32 $0x80, s31  }
0xf9: {  	[tilespmem:s1], [sflag:$0x1] =	stream.linear.gather [hbm4b:s0+s2], $0x80, $0x38;
	[tilespmem:$0x11900] =	vst v63  }
0xfa: {  	s1 =	sadd.s32 $0x100, s31;
	s0 =	sshll.u32 s11, $0x4;
	s31 =	sadd.s32 $0x400, s31  }
0xfb: {  	[tilespmem:s1], [sflag:$0x1] =	stream.linear.gather [hbm4b:s10+s2], $0x80, $0x38;
	[tilespmem:$0x11900] =	vst v63  }
0xfc: {  	s0 =	sand.u32 $0x1FFFFFF0, s0  }
0xfd: {  	s0 =	sadd.s32 s3, s0  }
0xfe: {  	[tilespmem:s28], [sflag:$0x1] =	stream.linear.gather [hbm4b:s0+s2], $0x80, $0x38;
	[tilespmem:$0x11900] =	vst v63  }
0xff: {  	_ =	swait.ge [sflag:s21], $0x8000  }
0x100: {  	[sflag:s21] =	ssyncset.done $0x0  }
0x101: {  	s28 =	simm.s32 $0x8100;
	[sflag:s21] =	ssyncadd.s32 $0xFFFF8000  }
0x102: {  	v1 =	vld [tilespmem:s28+$0x20]  }
0x103: {  	v2 =	vld [tilespmem:s28+$0xFFFFFF80]  }
0x104: {  	v3 =	vld [tilespmem:s28+$0xA0]  }
0x105: {  	v4 =	vld [tilespmem:s28+$0x90]  }
0x106: {  	v5 =	vld [tilespmem:s28+$0xFFFFFF20]  }
0x107: {  	v0 =	vld [tilespmem:s28+$0x10]  }
0x108: {  	v7 =	vld [tilespmem:s28+$0xFFFFFF10]  }
0x109: {  	v8 =	vld [tilespmem:s28+$0x80]  }
0x10a: {  	v9 =	vld [tilespmem:s28+$0xFFFFFF00];
	v4 =	vadd.f32 v4, v4  }
0x10b: {  	v10 =	vld [tilespmem:s28+$0x30];
	v1 =	vadd.f32 v1, v1  }
0x10c: {  	v11 =	vld [tilespmem:s28+$0xFFFFFF90];
	v2 =	vadd.f32 v2, v2;
	[tilespmem:s28+$0x90] =	vst v4  }
0x10d: {  	v6 =	vld [tilespmem:s28+$0xB0];
	v4 =	vadd.f32 v3, v3;
	[tilespmem:s28+$0x20] =	vst v1  }
0x10e: {  	v12 =	vadd.f32 v5, v5;
	v3 =	vld [tilespmem:s28+$0x0];
	[tilespmem:s28+$0xFFFFFF80] =	vst v2  }
0x10f: {  	v2 =	vadd.f32 v8, v8;
	[tilespmem:s28+$0xA0] =	vst v4;
	v4 =	vld [tilespmem:s28+$0xFFFFFFB0]  }
0x110: {  	v5 =	vld [tilespmem:s28+$0xFFFFFFA0];
	v8 =	vadd.f32 v9, v9;
	v1 =	vadd.f32 v7, v7;
	[tilespmem:s28+$0xFFFFFF20] =	vst v12  }
0x111: {  	s29 =	simm.s32 $0x0;
	s30 =	simm.s32 $0x8300;
	v7 =	vld [tilespmem:s28+$0xFFFFFF30];
	v9 =	vadd.f32 v11, v11;
	[tilespmem:s28+$0x80] =	vst v2;
	v2 =	vadd.f32 v10, v10  }
.LBB2_11:
0x112: {  	v10 =	vld [tilespmem:s30+$0x20];
	s29 =	sadd.s32 $0x4, s29;
	[tilespmem:s28+$0xFFFFFF00] =	vst v8;
	v0 =	vadd.f32 v0, v0;
	v6 =	vadd.f32 v6, v6  }
0x113: {  	v8 =	vld [tilespmem:s30+$0xFFFFFF80];
	p0 =	slt.u32 s29, $0xFC;
	[tilespmem:s28+$0xFFFFFF90] =	vst v9;
	v3 =	vadd.f32 v3, v3  }
0x114: {  	v9 =	vld [tilespmem:s30+$0xA0];
	v4 =	vadd.f32 v4, v4;
	[tilespmem:s28+$0xB0] =	vst v6  }
0x115: {  	v11 =	vld [tilespmem:s30+$0xFFFFFF20];
	v5 =	vadd.f32 v5, v5;
	[tilespmem:s28+$0x0] =	vst v3  }
0x116: {  	v3 =	vld [tilespmem:s30+$0x90];
	v6 =	vadd.f32 v7, v7;
	[tilespmem:s28+$0x10] =	vst v0  }
0x117: {  	v0 =	vld [tilespmem:s30+$0x10];
	v7 =	vadd.f32 v10, v10;
	[tilespmem:s28+$0xFFFFFF10] =	vst v1  }
0x118: {  	v1 =	vld [tilespmem:s30+$0xFFFFFF10];
	[tilespmem:s28+$0xFFFFFF30] =	vst v6  }
0x119: {  	v10 =	vld [tilespmem:s30+$0x80];
	v9 =	vadd.f32 v9, v9;
	[tilespmem:s28+$0x30] =	vst v2  }
0x11a: {  	v2 =	vld [tilespmem:s30+$0xFFFFFF00];
	[tilespmem:s28+$0xFFFFFFB0] =	vst v4  }
0x11b: {  	v12 =	vld [tilespmem:s30+$0x30];
	v3 =	vadd.f32 v3, v3;
	[tilespmem:s28+$0xFFFFFFA0] =	vst v5;
	s28 =	smov.u32 s30  }
0x11c: {  	v13 =	vld [tilespmem:s30+$0xFFFFFF90];
	[tilespmem:s30+$0x20] =	vst v7  }
.Ltmp4:
0x11d: {  	v4 =	vadd.f32 v8, v8;
	[tilespmem:s30+$0x90] =	vst v3;
	v6 =	vld [tilespmem:s30+$0xB0];
	(pc) =	sbr.rel @p0 .LBB2_11-.Ltmp4, $4  }
0x11e: {  	v3 =	vld [tilespmem:s30+$0x0];
	v7 =	vadd.f32 v10, v10;
	[tilespmem:s30+$0xA0] =	vst v9  }
0x11f: {  	v9 =	vadd.f32 v11, v11;
	[tilespmem:s30+$0xFFFFFF80] =	vst v4;
	v4 =	vld [tilespmem:s30+$0xFFFFFFB0]  }
0x120: {  	v1 =	vadd.f32 v1, v1;
	v8 =	vadd.f32 v2, v2;
	v5 =	vld [tilespmem:s30+$0xFFFFFFA0];
	[tilespmem:s30+$0x80] =	vst v7  }
0x121: {  	v2 =	vadd.f32 v12, v12;
	s30 =	sadd.s32 $0x200, s30;
	[tilespmem:s28+$0xFFFFFF20] =	vst v9;
	v7 =	vld [tilespmem:s28+$0xFFFFFF30];
	v9 =	vadd.f32 v13, v13  }
0x122: {  	[tilespmem:s28+$0xFFFFFF00] =	vst v8  }
0x123: {  	[tilespmem:s28+$0xFFFFFF10] =	vst v1  }
0x124: {  	v6 =	vadd.f32 v6, v6;
	[tilespmem:s28+$0xFFFFFF90] =	vst v9  }
0x125: {  	v0 =	vadd.f32 v0, v0;
	[tilespmem:s28+$0x30] =	vst v2  }
0x126: {  	v3 =	vadd.f32 v3, v3;
	[tilespmem:s28+$0xB0] =	vst v6  }
0x127: {  	[tilespmem:s28+$0x10] =	vst v0;
	v62 =	vadd.f32 v4, v4  }
0x128: {  	[tilespmem:s28+$0x0] =	vst v3;
	v63 =	vadd.f32 v5, v5  }
0x129: {  	s0 =	sadd.s32 s6, s26;
	s25 =	sadd.s32 $0x1, s25;
	v61 =	vadd.f32 v7, v7;
	[tilespmem:s28+$0xFFFFFFB0] =	vst v62  }
0x12a: {  	s0 =	sshll.u32 s0, $0x4;
	p0 =	sne.s32 s25, $0xC;
	[tilespmem:s28+$0xFFFFFFA0] =	vst v63  }
.Ltmp5:
0x12b: {  	s0 =	sadd.s32 s4, s0;
	[tilespmem:s28+$0xFFFFFF30] =	vst v61;
	(pc) =	sbr.rel @p0 .LBB2_4-.Ltmp5, $4  }
0x12c: {  	[hbm4b:s0+s2] =	stream.linear.scatter [tilespmem:s22], [sflag:$0x4], $0x8000, $0x38;
	[tilespmem:$0x11900] =	vst v63  }
0x12d: {  	_ =	swait.ge [sflag:s23], $0x8000  }
0x12e: {  	[sflag:s23] =	ssyncset.done $0x0  }
0x12f: {  	[sflag:s23] =	ssyncadd.s32 $0xFFFF8000  }
0x130: {  	_ =	swait.ge [sflag:s16], $0x8000  }
0x131: {  	[sflag:s16] =	ssyncset.done $0x0  }
0x132: {  	s25 =	simm.s32 $0x100;
	[sflag:s16] =	ssyncadd.s32 $0xFFFF8000  }
0x133: {  	v1 =	vld [tilespmem:s25+$0x20]  }
0x134: {  	v2 =	vld [tilespmem:s25+$0xFFFFFF80]  }
0x135: {  	v3 =	vld [tilespmem:s25+$0xA0]  }
0x136: {  	v4 =	vld [tilespmem:s25+$0x90]  }
0x137: {  	v5 =	vld [tilespmem:s25+$0xFFFFFF20]  }
0x138: {  	v0 =	vld [tilespmem:s25+$0x10]  }
0x139: {  	v7 =	vld [tilespmem:s25+$0xFFFFFF10]  }
0x13a: {  	v8 =	vld [tilespmem:s25+$0x80]  }
0x13b: {  	v9 =	vld [tilespmem:s25+$0xFFFFFF00];
	v4 =	vadd.f32 v4, v4  }
0x13c: {  	v10 =	vld [tilespmem:s25+$0x30];
	v1 =	vadd.f32 v1, v1  }
0x13d: {  	v11 =	vld [tilespmem:s25+$0xFFFFFF90];
	v2 =	vadd.f32 v2, v2;
	[tilespmem:s25+$0x90] =	vst v4  }
0x13e: {  	v6 =	vld [tilespmem:s25+$0xB0];
	v4 =	vadd.f32 v3, v3;
	[tilespmem:s25+$0x20] =	vst v1  }
0x13f: {  	v12 =	vadd.f32 v5, v5;
	v3 =	vld [tilespmem:s25+$0x0];
	[tilespmem:s25+$0xFFFFFF80] =	vst v2  }
0x140: {  	v2 =	vadd.f32 v8, v8;
	[tilespmem:s25+$0xA0] =	vst v4;
	v4 =	vld [tilespmem:s25+$0xFFFFFFB0]  }
0x141: {  	v5 =	vld [tilespmem:s25+$0xFFFFFFA0];
	v8 =	vadd.f32 v9, v9;
	v1 =	vadd.f32 v7, v7;
	[tilespmem:s25+$0xFFFFFF20] =	vst v12  }
0x142: {  	s26 =	simm.s32 $0x0;
	s28 =	simm.s32 $0x300;
	v7 =	vld [tilespmem:s25+$0xFFFFFF30];
	v9 =	vadd.f32 v11, v11;
	[tilespmem:s25+$0x80] =	vst v2;
	v2 =	vadd.f32 v10, v10  }
.LBB2_14:
0x143: {  	v10 =	vld [tilespmem:s28+$0x20];
	s26 =	sadd.s32 $0x4, s26;
	[tilespmem:s25+$0xFFFFFF00] =	vst v8;
	v0 =	vadd.f32 v0, v0;
	v6 =	vadd.f32 v6, v6  }
0x144: {  	v8 =	vld [tilespmem:s28+$0xFFFFFF80];
	p0 =	slt.u32 s26, $0xFC;
	[tilespmem:s25+$0xFFFFFF90] =	vst v9;
	v3 =	vadd.f32 v3, v3  }
0x145: {  	v9 =	vld [tilespmem:s28+$0xA0];
	v4 =	vadd.f32 v4, v4;
	[tilespmem:s25+$0xB0] =	vst v6  }
0x146: {  	v11 =	vld [tilespmem:s28+$0xFFFFFF20];
	v5 =	vadd.f32 v5, v5;
	[tilespmem:s25+$0x0] =	vst v3  }
0x147: {  	v3 =	vld [tilespmem:s28+$0x90];
	v6 =	vadd.f32 v7, v7;
	[tilespmem:s25+$0x10] =	vst v0  }
0x148: {  	v0 =	vld [tilespmem:s28+$0x10];
	v7 =	vadd.f32 v10, v10;
	[tilespmem:s25+$0xFFFFFF10] =	vst v1  }
0x149: {  	v1 =	vld [tilespmem:s28+$0xFFFFFF10];
	[tilespmem:s25+$0xFFFFFF30] =	vst v6  }
0x14a: {  	v10 =	vld [tilespmem:s28+$0x80];
	v9 =	vadd.f32 v9, v9;
	[tilespmem:s25+$0x30] =	vst v2  }
0x14b: {  	v2 =	vld [tilespmem:s28+$0xFFFFFF00];
	[tilespmem:s25+$0xFFFFFFB0] =	vst v4  }
0x14c: {  	v12 =	vld [tilespmem:s28+$0x30];
	v3 =	vadd.f32 v3, v3;
	[tilespmem:s25+$0xFFFFFFA0] =	vst v5;
	s25 =	smov.u32 s28  }
0x14d: {  	v13 =	vld [tilespmem:s28+$0xFFFFFF90];
	[tilespmem:s28+$0x20] =	vst v7  }
.Ltmp6:
0x14e: {  	v4 =	vadd.f32 v8, v8;
	[tilespmem:s28+$0x90] =	vst v3;
	v6 =	vld [tilespmem:s28+$0xB0];
	(pc) =	sbr.rel @p0 .LBB2_14-.Ltmp6, $4  }
0x14f: {  	v3 =	vld [tilespmem:s28+$0x0];
	v7 =	vadd.f32 v10, v10;
	[tilespmem:s28+$0xA0] =	vst v9  }
0x150: {  	v9 =	vadd.f32 v11, v11;
	[tilespmem:s28+$0xFFFFFF80] =	vst v4;
	v4 =	vld [tilespmem:s28+$0xFFFFFFB0]  }
0x151: {  	v1 =	vadd.f32 v1, v1;
	v8 =	vadd.f32 v2, v2;
	v5 =	vld [tilespmem:s28+$0xFFFFFFA0];
	[tilespmem:s28+$0x80] =	vst v7  }
0x152: {  	v2 =	vadd.f32 v12, v12;
	s28 =	sadd.s32 $0x200, s28;
	[tilespmem:s25+$0xFFFFFF20] =	vst v9;
	v7 =	vld [tilespmem:s25+$0xFFFFFF30];
	v9 =	vadd.f32 v13, v13  }
0x153: {  	[tilespmem:s25+$0xFFFFFF00] =	vst v8  }
0x154: {  	[tilespmem:s25+$0xFFFFFF10] =	vst v1  }
0x155: {  	v6 =	vadd.f32 v6, v6;
	[tilespmem:s25+$0xFFFFFF90] =	vst v9  }
0x156: {  	v0 =	vadd.f32 v0, v0;
	[tilespmem:s25+$0x30] =	vst v2  }
0x157: {  	v3 =	vadd.f32 v3, v3;
	[tilespmem:s25+$0xB0] =	vst v6  }
0x158: {  	[tilespmem:s25+$0x10] =	vst v0;
	v62 =	vadd.f32 v4, v4  }
0x159: {  	[tilespmem:s25+$0x0] =	vst v3;
	v63 =	vadd.f32 v5, v5  }
0x15a: {  	v61 =	vadd.f32 v7, v7;
	[tilespmem:s25+$0xFFFFFFB0] =	vst v62  }
0x15b: {  	[tilespmem:s25+$0xFFFFFFA0] =	vst v63  }
0x15c: {  	s0 =	rddreg [dreg:$0x6];
	[tilespmem:s25+$0xFFFFFF30] =	vst v61  }
0x15d: {  	[hbm4b:s0+s2] =	stream.linear.scatter [tilespmem:s2], [sflag:$0x3], $0x8000, $0x38;
	[tilespmem:$0x11900] =	vst v63  }
0x15e: {  	_ =	swait.ge [sflag:s20], $0x8000  }
0x15f: {  	s1 =	rddreg [dreg:$0xa]  }
0x160: {  	s31 =	rddreg [dreg:$0x7];
	s1 =	sadd.s32 $0x1, s1  }
0x161: {  	p0 =	sne.s32 s1, s31  }
.Ltmp7:
0x162: {  	_ = 	snop;
	(pc) =	sbr.rel @p0 .LBB2_1-.Ltmp7, $3  }
0x163: {  	_ =	sdelay $0x1  }
0x164: {  	[sflag:s20] =	ssyncset.done $0x0  }
0x165: {  	[sflag:s20] =	ssyncadd.s32 $0xFFFF8000  }
0x166: {  	_ =	sfence.sel $0x180000  }
0x167: {  	[bflag:$0x0] =	sbarrier.arrive $0xFFFF  }
0x168: {  	_ =	strace $0x90000047  }
0x169: {  	s0 =	stileid.u32;
	[bflag:$0x2] =	sbarrier.arrive $0xFFFF  }
0x16a: {  	p0 =	sne.s32 s0, $0x0;
	s0 =	rddreg [dreg:$0x3]  }
0x16b: {  	s0 =	sadd.s32 @!p0 $0x100000, s0  }
0x16c: {  	[sflag:s0] =	ssyncadd.tile.s32 @!p0 $0x1;
	_ =	shalt  }
.Lfunc_end2:
_tile_overlayer_lowered:
.L_overlay_start_2:
0x16d: {  	(tag) =	ssettag $0x2  }
0x16e: {  	s0 =	rddreg [dreg:$0x0];
	s2 =	stileid.u32  }
0x16f: {  	s1 =	rddreg [dreg:$0x1];
	p0 =	sne.s32 s2, $0x0  }
0x170: {  	s3 =	rddreg [dreg:$0x2];
	[bflag:$0x3] =	sbarrier.arrive $0xFFFF;
	s2 =	simm.s32 @!p0 $0x1C05  }
0x171: {  	[timem:s3], [sflag:s2] =	dma.local @!p0 [hbm:s0], s1  }
0x172: {  	s0 =	simm.s32 @!p0 $0x5  }
0x173: {  	_ =	swait.ge @!p0 [sflag:s0], s1  }
0x174: {  	s1 =	ssub.s32 @!p0 $0x0, s1;
	[sflag:s0] =	ssyncset.done @!p0 $0x0  }
0x175: {  	[sflag:s0] =	ssyncadd.s32 @!p0 s1  }
0x176: {  	[bflag:$0x3] =	sbarrier.arrive $0xFFFF  }
0x177: {  	_ =	shalt  }

// kernel: sparse-core-data-format-call.cloned.1.call-start
scs
called_computation_lowered:
.L_overlay_start_0:
0x0: {  	s2 =	sld [smem:$0x3FD9]  }
0x1: {  	s3 =	sld [smem:$0x3FFE];
	_ =	sdelay $0x1  }
0x2: {  	s1 =	srdreg.scid  }
0x3: {  	s0 =	sand.u32 $0x1, s1  }
0x4: {  	s18 =	sshll.u32 s0, $0xA;
	s2 =	sadd.s32 s3, s2  }
0x5: {  	s2 =	sadd.s32 s2, s18  }
0x6: {  	[smem:$0x3FC6] =	sst s2  }
0x7: {  	_ = 	snop  }
0x8: {  	s2 =	sld [smem:$0x3FD0];
	(tm) =	ssettm $0x1  }
0x9: {  	s19 =	sld [smem:$0x3FFB];
	_ =	sdelay $0x3  }
0xa: {  	_ =	strace s19  }
0xb: {  	s3 =	sld [smem:$0x3FFC];
	_ =	sdelay $0x3  }
0xc: {  	_ =	strace s3  }
0xd: {  	s3 =	sld [smem:$0x3FFD];
	_ =	sdelay $0x3  }
0xe: {  	_ =	strace s3  }
0xf: {  	_ =	strace $0x8FFFFFFF  }
0x10: {  	s20 =	sld [smem:$0x3FDB];
	_ =	sdelay $0x1  }
0x11: {  	s4 =	simm.s32 $_scs_section_size  }
0x12: {  	s5 =	simm.s32 $_size__tile_overlayer_lowered;
	s6 =	simm.s32 $_tile_overlayer_lowered  }
0x13: {  	s23 =	simm.s32 $0x1BFF;
	s22 =	sshll.u32 s6, $0x1;
	s3 =	sadd.s32 s4, s20  }
0x14: {  	s7 =	simm.s32 $0x0;
	s21 =	sshll.u32 s5, $0x1;
	s5 =	sadd.s32 s22, s3  }
0x15: {  	[timem:s7], [sflag:s23] =	dma.local [hbm:s5], s21  }
0x16: {  	_ =	swait.ge [sflag:s23], s21  }
0x17: {  	s4 =	ssub.s32 $0x0, s21;
	[sflag:s23] =	ssyncset.done $0x0  }
0x18: {  	[sflag:s23] =	ssyncadd.s32 s4;
	_ =	sdelay $0x1  }
0x19: {  	s24 =	simm.s32 $0x1B8B  }
0x1a: {  	_ =	swait.ge [sflag:s24], $0x1  }
0x1b: {  	[sflag:s24] =	ssyncset.done $0x0  }
0x1c: {  	s26 =	simm.s32 $0x1B8E;
	s25 =	sld [smem:$0x3FFE];
	[sflag:s24] =	ssyncadd.s32 $0xFFFFFFFF  }
0x1d: {  	s27 =	simm.s32 $execute0_lowered;
	[smem:$0x3FD2] =	sst s26  }
0x1e: {  	s5 =	sshll.u32 s27, $0x1;
	_ =	strace $0x80000049;
	[dreg:$0x1] =	wrdreg $0xFFFFFFFF  }
0x1f: {  	s28 =	simm.s32 $_size_execute0_lowered;
	s3 =	sadd.s32 s3, s5;
	[dreg:$0x0] =	wrdreg $0x0  }
0x20: {  	s5 =	sshll.u32 s28, $0x1;
	[dreg:$0x2] =	wrdreg s3  }
0x21: {  	[dreg:$0x3] =	wrdreg s5  }
0x22: {  	[dreg:$0x4] =	wrdreg $0xC0  }
0x23: {  	_ =	task [dreg:s7], $0x5FFFF  }
0x24: {  	[dreg:$0x1] =	wrdreg $0xFFFFFFFF  }
0x25: {  	[dreg:$0x0] =	wrdreg $0x60  }
0x26: {  	[dreg:$0x2] =	wrdreg s25  }
0x27: {  	[dreg:$0x3] =	wrdreg s2  }
0x28: {  	[dreg:$0x4] =	wrdreg $0x9  }
0x29: {  	_ =	task.clear_ibuf [dreg:s7], $0x5FFFF;
	_ =	strace $0x90000049  }
0x2a: {  	s29 =	simm.s32 $0x9;
	_ =	strace $0x8000004B  }
0x2b: {  	_ =	swait.ge [sflag:s29], $0x1  }
0x2c: {  	[sflag:s29] =	ssyncadd.s32 $0xFFFFFFFF  }
0x2d: {  	_ =	strace $0x9000004B  }
0x2e: {  	_ =	sfence  }
0x2f: {  	s30 =	sld [smem:$0x0];
	_ =	sdelay $0x2  }
0x30: {  	s31 =	sshll.u32 s1, $0xD;
	s1 =	sshrl.u32 s1, $0x2  }
0x31: {  	s3 =	sand.u32 $0x4000, s31;
	s1 =	sadd.s32 s1, s30  }
0x32: {  	s0 =	sor.u32 s3, s0;
	s1 =	sshll.u32 s1, $0x11  }
0x33: {  	s0 =	sor.u32 s1, s0  }
0x34: {  	s0 =	sadd.s32 $0x8F2B, s0  }
0x35: {  	[sflag:s0] =	ssyncadd.remote.s32 $0x1  }
0x36: {  	_ =	sfence.sel $0xFFFF  }
0x37: {  	[dreg:$0x0] =	wrdreg $0xFFFFFFFF;
	(pc) =	sbr.abs _section_cstart, $3  }
0x38: {  	[dreg:$0x1] =	wrdreg $0xFFFFFFFF  }
0x39: {  	_ =	task.clear_ibuf [dreg:s7], $0x2FFFF;
	_ =	strace $0x9FFFFFFF  }
0x3a: {  	(tm) =	ssettm $0x7FFFFFFF  }
0x3b: {  	_ =	shalt  }
tec
execute0_lowered:
.L_overlay_start_1:
0x0: {  	(tag) =	ssettag $0x1  }
0x1: {  	s0 =	stileid.u32;
	s6 =	rddreg [dreg:$0x0]  }
0x2: {  	s2 =	rddreg [dreg:$0x1];
	s5 =	srdreg.scid  }
0x3: {  	s31 =	simm.s32 $0x2;
	s13 =	simm.s32 $0x0;
	s1 =	sshll.u32 s0, $0x7  }
0x4: {  	s14 =	simm.s32 $0x0;
	s12 =	simm.s32 $0x0;
	s3 =	sand.u32 $0x380, s1  }
0x5: {  	s5 =	sshll.u32 s5, $0x4;
	s6 =	sadd.s32 $0xF42C00, s6;
	s4 =	ssub.s32 $0x400, s3  }
0x6: {  	s1 =	rddreg [dreg:$0x2];
	_ =	strace $0x8000004A;
	s7 =	sand.u32 $0x380, s4  }
0x7: {  	s5 =	sand.u32 $0x10, s5;
	p0 =	sne.s32 s7, $0x0;
	s7 =	simm.s32 $0x1  }
.Ltmp0:
0x8: {  	s8 =	sshrl.u32 s4, $0xA;
	s7 =	simm.s32 @!p0 $0x0;
	(pc) =	sbr.rel .LBB1_1-.Ltmp0, $4  }
0x9: {  	s9 =	sor.u32 s0, s5;
	s4 =	simm.s32 $0x1;
	s30 =	sadd.s32 s7, s8  }
0xa: {  	s11 =	smov.u32 s3;
	[sflag:s4] =	ssyncpa.u1 $0x0;
	s5 =	smul.u32 $0x32, s30  }
0xb: {  	[sflag:s31] =	ssyncpa.u1 $0x0;
	p0 =	por $0x0, $0x0;
	s7 =	sshrl.u32 s9, $0x3  }
0xc: {  	s9 =	simm.s32 $0x2000;
	s10 =	smov.u32 s7;
	s8 =	sor.u32 $0x1, s5  }
.LBB1_4:
0xd: {  	s17 =	sand.u32 $0x1F80, s14;
	s13 =	sshll.u32 s13, $0xD  }
0xe: {  	[tilespmem:s16+$0x810 ss:$0x81] =	vst.msk $0xffff, v2;
	s18 =	sshrl.u32 s14, $0x3;
	s31 =	sand.u32 $0x7, s14;
	s17 =	sadd.s32 s2, s17  }
0xf: {  	[tilespmem:s16+$0x1020 ss:$0x81] =	vst.msk $0xffff, v0;
	s18 =	sand.u32 $0xF, s18;
	s14 =	sshll.u32 s31, $0x12;
	s13 =	sadd.s32 s13, s17  }
0x10: {  	[tilespmem:s16+$0x0 ss:$0x81] =	vst.msk $0xffff, v1;
	s14 =	sor.u32 $0x400, s14;
	s13 =	sadd.s32 s18, s13  }
0x11: {  	[hbm4b:s13+s14] =	stream.strided.scatter [tilespmem:s15], [sflag:$0x2], $0x2000, s9, s14, $0x20;
	[tilespmem:$0x8080] =	vst v63  }
.LBB1_5:
0x12: {  	s15 =	sadd.s32 $0x4, s10  }
0x13: {  	s13 =	sadd.s32 $0x400, s11;
	s17 =	smov.u32 s11;
	p2 =	sgt.s32 s15, $0xC7  }
0x14: {  	s17 =	smov.u32 @p2 s13  }
0x15: {  	s15 =	smov.u32 @p2 s7;
	p2 =	sgt.s32 s17, $0x3FF  }
0x16: {  	s17 =	smov.u32 @p2 s3;
	p2 =	sne.s32 s12, s8  }
.Ltmp1:
0x17: {  	p1 =	slt.u32 s12, $0x2;
	(pc) =	sbr.rel @!p2 .LBB1_6-.Ltmp1, $4  }
0x18: {  	s16 =	simm.s32 @!p1 $0x2  }
0x19: {  	s14 =	smov.u32 s11;
	p0 =	por !p0, !p0;
	_ =	swait.ge @!p1 [sflag:s16], $0x2000  }
0x1a: {  	s13 =	smov.u32 s10;
	[sflag:s16] =	ssyncset.done @!p1 $0x0;
	s10 =	smov.u32 s15  }
0x1b: {  	s12 =	sadd.s32 $0x1, s12;
	[sflag:s16] =	ssyncadd.s32 @!p1 $0xFFFFE000;
	s11 =	smov.u32 s17  }
.LBB1_1:
0x1c: {  	p1 =	sge.u32 s12, s5  }
0x1d: {  	s15 =	sand.u32 @!p1 $0x1FFFFFF, s10  }
0x1e: {  	s16 =	smulhi.u32 @!p1 $0x147AE15, s15;
	_ =	sdelay $0x1  }
0x1f: {  	s16 =	smul.u32 @!p1 $0xC8, s16  }
0x20: {  	s17 =	sxor.u32 @!p1 $0xFFFFFFFF, s12;
	s18 =	smul.u32 @!p1 $0xC80, s11  }
0x21: {  	s31 =	sadd.s32 $0xFFFFFFFF, s12;
	s17 =	sshll.u32 @!p1 s17, $0xD;
	s15 =	ssub.s32 @!p1 s15, s16  }
0x22: {  	s16 =	sand.u32 @!p1 $0x2000, s17;
	s17 =	sadd.s32 @!p1 s6, s18;
	s15 =	sshll.u32 @!p1 s15, $0x4  }
0x23: {  	s18 =	simm.s32 @!p1 $0x6400;
	s15 =	sadd.s32 @!p1 s15, s17;
	s17 =	simm.s32 @!p1 $0x40  }
0x24: {  	[tilespmem:s16], [sflag:$0x1] =	stream.strided.gather @!p1 [hbm4b:s15+s17], $0x2000, s18, s17, $0x38;
	[tilespmem:$0x8080] =	vst v63  }
0x25: {  	p1 =	sge.u32 s31, s5  }
.Ltmp2:
0x26: {  	_ = 	snop;
	(pc) =	sbr.rel @p1 .LBB1_5-.Ltmp2, $1  }
0x27: {  	_ =	sdelay $0x3  }
0x28: {  	s15 =	simm.s32 $0x1  }
0x29: {  	_ =	swait.ge [sflag:s4], $0x2000;
	s15 =	simm.s32 @!p0 $0x0  }
0x2a: {  	[sflag:s4] =	ssyncset.done $0x0;
	s16 =	sshll.u32 s15, $0xD  }
0x2b: {  	[sflag:s4] =	ssyncadd.s32 $0xFFFFE000;
	s19 =	sor.u32 $0x20, s16  }
0x2c: {  	s15 =	smul.u32 $0x8100, s15;
	v3 =	vld [tilespmem:s19+$0x10]  }
0x2d: {  	s30 =	sand.u32 $0x1, s12;
	v2 =	vld [tilespmem:s19+$0xFFFFFFF0]  }
0x2e: {  	s16 =	smul.u32 $0x8100, s30;
	s15 =	sshrl.u32 s15, $0x2;
	v0 =	vld [tilespmem:s19+$0x0]  }
0x2f: {  	v1 =	vld [tilespmem:s19+$0xFFFFFFE0];
	s17 =	sor.u32 $0x4000, s15  }
0x30: {  	s31 =	sshrl.u32 s16, $0x2;
	s16 =	sadd.s32 $0x0, s17  }
0x31: {  	s18 =	simm.s32 $0x4;
	s19 =	sadd.s32 $0x40, s19;
	s15 =	sor.u32 $0x4000, s31;
	[tilespmem:s16+$0x1830 ss:$0x81] =	vst.msk $0xffff, v3  }
.LBB1_3:
0x32: {  	v3 =	vld [tilespmem:s19+$0x10];
	p1 =	sne.s32 s18, $0x1FC;
	[tilespmem:s16+$0x810 ss:$0x81] =	vst.msk $0xffff, v2;
	s20 =	smov.u32 s18;
	s18 =	sadd.s32 $0x4, s18  }
.Ltmp3:
0x33: {  	v2 =	vld [tilespmem:s19+$0xFFFFFFF0];
	[tilespmem:s16+$0x1020 ss:$0x81] =	vst.msk $0xffff, v0;
	(pc) =	sbr.rel @p1 .LBB1_3-.Ltmp3, $4  }
0x34: {  	v0 =	vld [tilespmem:s19+$0x0];
	[tilespmem:s16+$0x0 ss:$0x81] =	vst.msk $0xffff, v1  }
0x35: {  	s16 =	sshra.s32 s20, $0x2;
	v1 =	vld [tilespmem:s19+$0xFFFFFFE0]  }
0x36: {  	s16 =	sadd.s32 s16, s17  }
0x37: {  	s19 =	sadd.s32 $0x40, s19;
	[tilespmem:s16+$0x1830 ss:$0x81] =	vst.msk $0xffff, v3  }
.Ltmp4:
0x38: {  	_ = 	snop;
	(pc) =	sbr.rel .LBB1_4-.Ltmp4, $1  }
0x39: {  	_ =	sdelay $0x3  }
.LBB1_6:
0x3a: {  	_ =	sfence.sel $0x180000  }
0x3b: {  	s2 =	simm.s32 $0x1;
	[bflag:$0x0] =	sbarrier.arrive $0xFFFF  }
0x3c: {  	s31 =	simm.s32 $0x2;
	[sflag:s2] =	ssyncpa.u1 $0x1  }
0x3d: {  	[sflag:s31] =	ssyncpa.u1 $0x1  }
0x3e: {  	p0 =	sne.s32 s0, $0x0;
	_ =	strace $0x9000004A  }
0x3f: {  	s0 =	sadd.s32 @!p0 $0x100000, s1;
	[bflag:$0x2] =	sbarrier.arrive $0xFFFF  }
0x40: {  	[sflag:s0] =	ssyncadd.tile.s32 @!p0 $0x1;
	_ =	shalt  }
.Lfunc_end1:
_tile_overlayer_lowered:
.L_overlay_start_2:
0x41: {  	(tag) =	ssettag $0x2  }
0x42: {  	s0 =	rddreg [dreg:$0x0];
	s2 =	stileid.u32  }
0x43: {  	s1 =	rddreg [dreg:$0x1];
	p0 =	sne.s32 s2, $0x0  }
0x44: {  	s3 =	rddreg [dreg:$0x2];
	[bflag:$0x3] =	sbarrier.arrive $0xFFFF;
	s2 =	simm.s32 @!p0 $0x1C01  }
0x45: {  	[timem:s3], [sflag:s2] =	dma.local @!p0 [hbm:s0], s1  }
0x46: {  	s0 =	simm.s32 @!p0 $0x1  }
0x47: {  	_ =	swait.ge @!p0 [sflag:s0], s1  }
0x48: {  	s1 =	ssub.s32 @!p0 $0x0, s1;
	[sflag:s0] =	ssyncset.done @!p0 $0x0  }
0x49: {  	[sflag:s0] =	ssyncadd.s32 @!p0 s1  }
0x4a: {  	[bflag:$0x3] =	sbarrier.arrive $0xFFFF  }
0x4b: {  	_ =	shalt  }

</sc_bundles>
